<compile_context>
chip_gen: v7x
topology: tpu7x:2x2x1
jax: 0.10.2.dev20260603
libtpu: 0.0.44.dev20260713+nightly
codegen_flags: <defaults>
</compile_context>

<pallas_src>
import jax
import jax.numpy as jnp
from jax import lax
from jax.experimental import pallas as pl
from jax.experimental.pallas import tpu as pltpu
from jax.experimental.pallas import tpu_sc as plsc

N = 10000
F = 128
H = 128
C = 64
E = 320000

N_PAD = 10240
NC = 2
NS = 16
NW = NC * NS
B = 128
NB0 = 80
NB1 = 80
E_PAD = B * NS * (NB0 + NB1)
NROWS = E_PAD // B
RPT = N_PAD // NS
CH = 8


def _make_sc_agg(W, with_deg):
    mesh = plsc.VectorSubcoreMesh(core_axis_name="c", subcore_axis_name="s")
    out_type = [jax.ShapeDtypeStruct((N_PAD, W), jnp.float32),
                jax.ShapeDtypeStruct((N_PAD, W), jnp.float32)]
    if with_deg:
        out_type += [jax.ShapeDtypeStruct((N_PAD,), jnp.float32),
                     jax.ShapeDtypeStruct((N_PAD,), jnp.float32)]
    scratch = [
        pltpu.VMEM((2, CH, B), jnp.int32),
        pltpu.VMEM((2, CH, B), jnp.int32),
        pltpu.VMEM((2, B, W), jnp.float32),
        pltpu.VMEM_SHARED((N_PAD, W), jnp.float32),
        pltpu.SemaphoreType.DMA,
        pltpu.SemaphoreType.DMA,
        pltpu.SemaphoreType.DMA,
    ]
    if with_deg:
        scratch += [
            pltpu.VMEM((B,), jnp.float32),
            pltpu.VMEM_SHARED((N_PAD,), jnp.float32),
            pltpu.SemaphoreType.DMA,
        ]

    def body(table, srcs, dsts, zrows, *rest):
        if with_deg:
            (zcol, ocol, out0, out1, deg0, deg1,
             src_ch, dst_ch, rows_v, acc_sh, gsem, ssem, isem,
             ones_v, deg_sh, dsem) = rest
        else:
            (out0, out1, src_ch, dst_ch, rows_v, acc_sh,
             gsem, ssem, isem) = rest
        cid = lax.axis_index("c")
        sid = lax.axis_index("s")
        rows = pl.ds(sid * RPT, RPT)
        nb_c = jnp.where(cid == 0, NB0, NB1)
        nch_c = nb_c // CH
        base = jnp.where(cid == 0, sid * NB0, NS * NB0 + sid * NB1)

        def istage(c):
            cb = lax.rem(c, 2)
            sl = pl.ds(base + c * CH, CH)
            return (pltpu.make_async_copy(srcs.at[sl],
                                          src_ch.at[cb], isem),
                    pltpu.make_async_copy(dsts.at[sl],
                                          dst_ch.at[cb], isem))

        def gather(j):
            cb = lax.rem(lax.div(j, CH), 2)
            r = lax.rem(j, CH)
            return pltpu.make_async_copy(
                table.at[src_ch.at[cb, r]], rows_v.at[lax.rem(j, 2)], gsem)

        def scatter(j):
            cb = lax.rem(lax.div(j, CH), 2)
            r = lax.rem(j, CH)
            return pltpu.make_async_copy(
                rows_v.at[lax.rem(j, 2)], acc_sh.at[dst_ch.at[cb, r]], ssem)

        def dscat(j):
            cb = lax.rem(lax.div(j, CH), 2)
            r = lax.rem(j, CH)
            return pltpu.make_async_copy(
                ones_v, deg_sh.at[dst_ch.at[cb, r]], dsem)

        ia, ib = istage(0)
        ia.start()
        ib.start()
        pltpu.sync_copy(zrows, acc_sh.at[rows])
        if with_deg:
            pltpu.sync_copy(zcol, deg_sh.at[rows])
            pltpu.sync_copy(ocol, ones_v)
        plsc.subcore_barrier()
        iaw, ibw = istage(0)
        iaw.wait()
        ibw.wait()

        def step(j, carry):
            c = lax.div(j, CH)
            r = lax.rem(j, CH)

            @pl.when(jnp.logical_and(r == 0, c > 0))
            def _():
                wa, wb = istage(c)
                wa.wait()
                wb.wait()

            @pl.when(j >= 2)
            def _():
                scatter(j - 2).wait()

            gather(j).start()
            if with_deg:
                dscat(j).start(add=True)

            @pl.when(j >= 1)
            def _():
                gather(j - 1).wait()
                scatter(j - 1).start(add=True)
                if with_deg:
                    dscat(j - 1).wait()

            @pl.when(jnp.logical_and(r == 0, c + 1 < nch_c))
            def _():
                na, nb_ = istage(c + 1)
                na.start()
                nb_.start()

            return carry

        lax.fori_loop(0, nb_c, step, 0)
        gather(nb_c - 1).wait()
        scatter(nb_c - 1).start(add=True)
        scatter(nb_c - 2).wait()
        scatter(nb_c - 1).wait()
        if with_deg:
            dscat(nb_c - 1).wait()
        plsc.subcore_barrier()

        @pl.when(cid == 0)
        def _():
            pltpu.sync_copy(acc_sh.at[rows], out0.at[rows])
            if with_deg:
                pltpu.sync_copy(deg_sh.at[rows], deg0.at[rows])

        @pl.when(cid == 1)
        def _():
            pltpu.sync_copy(acc_sh.at[rows], out1.at[rows])
            if with_deg:
                pltpu.sync_copy(deg_sh.at[rows], deg1.at[rows])

    return pl.kernel(body, out_type=out_type, mesh=mesh, scratch_types=scratch)


_sc_agg_l1 = _make_sc_agg(F, with_deg=True)
_sc_agg_l2 = _make_sc_agg(H, with_deg=False)

_R = 1024


def _dense1_body(agg0, agg1, deg0, deg1, x, wn1, wr1, b1, wr2, b2,
                 h_o, hr2_o, rdeg_o):
    rdeg = 1.0 / jnp.maximum(deg0[...] + deg1[...], 1.0)
    mean = (agg0[...] + agg1[...]) * rdeg
    h = jnp.maximum(
        jnp.dot(mean, wn1[...], preferred_element_type=jnp.float32)
        + jnp.dot(x[...], wr1[...], preferred_element_type=jnp.float32)
        + b1[...], 0.0)
    h_o[...] = h
    hr2_o[...] = (jnp.dot(h, wr2[...], preferred_element_type=jnp.float32)
                  + b2[...])
    rdeg_o[...] = rdeg


_dense1 = pl.pallas_call(
    _dense1_body,
    grid=(N_PAD // _R,),
    in_specs=[
        pl.BlockSpec((_R, H), lambda i: (i, 0)),
        pl.BlockSpec((_R, H), lambda i: (i, 0)),
        pl.BlockSpec((_R, 1), lambda i: (i, 0)),
        pl.BlockSpec((_R, 1), lambda i: (i, 0)),
        pl.BlockSpec((_R, F), lambda i: (i, 0)),
        pl.BlockSpec((F, H), lambda i: (0, 0)),
        pl.BlockSpec((F, H), lambda i: (0, 0)),
        pl.BlockSpec((1, H), lambda i: (0, 0)),
        pl.BlockSpec((H, C), lambda i: (0, 0)),
        pl.BlockSpec((1, C), lambda i: (0, 0)),
    ],
    out_specs=[
        pl.BlockSpec((_R, H), lambda i: (i, 0)),
        pl.BlockSpec((_R, C), lambda i: (i, 0)),
        pl.BlockSpec((_R, 1), lambda i: (i, 0)),
    ],
    out_shape=[
        jax.ShapeDtypeStruct((N_PAD, H), jnp.float32),
        jax.ShapeDtypeStruct((N_PAD, C), jnp.float32),
        jax.ShapeDtypeStruct((N_PAD, 1), jnp.float32),
    ],
)


def _dense2_body(agg0, agg1, rdeg, hr2, wn2, out_o):
    mean = (agg0[...] + agg1[...]) * rdeg[...]
    z = (jnp.dot(mean, wn2[...], preferred_element_type=jnp.float32)
         + hr2[...])
    m = jnp.max(z, axis=1, keepdims=True)
    zz = z - m
    out_o[...] = zz - jnp.log(jnp.sum(jnp.exp(zz), axis=1, keepdims=True))


_dense2 = pl.pallas_call(
    _dense2_body,
    grid=(N_PAD // _R,),
    in_specs=[
        pl.BlockSpec((_R, H), lambda i: (i, 0)),
        pl.BlockSpec((_R, H), lambda i: (i, 0)),
        pl.BlockSpec((_R, 1), lambda i: (i, 0)),
        pl.BlockSpec((_R, C), lambda i: (i, 0)),
        pl.BlockSpec((H, C), lambda i: (0, 0)),
    ],
    out_specs=pl.BlockSpec((_R, C), lambda i: (i, 0)),
    out_shape=jax.ShapeDtypeStruct((N_PAD, C), jnp.float32),
)


def kernel(x, edge_index, W_root1, W_neigh1, b1, W_root2, W_neigh2, b2):
    x_pad = jnp.pad(x, ((0, N_PAD - N), (0, 0)))
    src = edge_index[0]
    dst = edge_index[1]
    pad_e = E_PAD - E
    src_r = jnp.concatenate(
        [src, jnp.zeros((pad_e,), jnp.int32)]).reshape(NROWS, B)
    dst_r = jnp.concatenate(
        [dst, jnp.full((pad_e,), N_PAD - 1, jnp.int32)]).reshape(NROWS, B)
    zrows_f = jnp.zeros((RPT, F), jnp.float32)
    zcol = jnp.zeros((RPT,), jnp.float32)
    ocol = jnp.ones((B,), jnp.float32)

    agg0, agg1, deg0, deg1 = _sc_agg_l1(x_pad, src_r, dst_r,
                                        zrows_f, zcol, ocol)
    h, hr2, rdeg = _dense1(agg0, agg1,
                           deg0.reshape(N_PAD, 1), deg1.reshape(N_PAD, 1),
                           x_pad, W_neigh1, W_root1, b1.reshape(1, H),
                           W_root2, b2.reshape(1, C))
    a20, a21 = _sc_agg_l2(h, src_r, dst_r, zrows_f)
    out = _dense2(a20, a21, rdeg, hr2, W_neigh2)
    return out[:N]

# --- scband reference (transcript-rebuilt; emitter-appended) ---
"""Pipeline reference for scband-graph-sage-59373627900056 (READ-ONLY COPY).

The authoritative reference and input builder live on the scoring server;
editing this copy changes nothing except your own understanding.
"""

import jax, jax.numpy as jnp
import numpy as np

N = 10000
E = 320000
F_IN = 128
H = 128
C = 64


def setup_inputs(seed: int = 0) -> dict:
    key = jax.random.key(seed)
    ks = jax.random.split(key, 10)
    x = jax.random.normal(ks[0], (N, F_IN), dtype=jnp.float32)
    edge_index = jax.random.randint(ks[1], (2, E), 0, N, dtype=jnp.int32)
    s1 = 1.0 / np.sqrt(F_IN)
    s2 = 1.0 / np.sqrt(H)
    W_root1 = jax.random.normal(ks[2], (F_IN, H), dtype=jnp.float32) * s1
    W_neigh1 = jax.random.normal(ks[3], (F_IN, H), dtype=jnp.float32) * s1
    b1 = jnp.zeros((H,), dtype=jnp.float32)
    W_root2 = jax.random.normal(ks[4], (H, C), dtype=jnp.float32) * s2
    W_neigh2 = jax.random.normal(ks[5], (H, C), dtype=jnp.float32) * s2
    b2 = jnp.zeros((C,), dtype=jnp.float32)
    return {"x": x, "edge_index": edge_index, "W_root1": W_root1, "W_neigh1": W_neigh1, "b1": b1, "W_root2": W_root2, "W_neigh2": W_neigh2, "b2": b2}


def _sage_conv(x, edge_index, W_root, W_neigh, b):
    src = edge_index[0]
    dst = edge_index[1]
    msgs = jnp.take(x, src, axis=0)
    agg = jax.ops.segment_sum(msgs, dst, num_segments=N)
    deg = jax.ops.segment_sum(jnp.ones((msgs.shape[0],), dtype=x.dtype), dst, num_segments=N)
    mean = agg / jnp.maximum(deg, 1.0)[:, None]
    return mean @ W_neigh + x @ W_root + b


def reference(x, edge_index, W_root1, W_neigh1, b1, W_root2, W_neigh2, b2):
    h = _sage_conv(x, edge_index, W_root1, W_neigh1, b1)
    h = jax.nn.relu(h)
    # dropout is identity at inference time (eval mode)
    h = _sage_conv(h, edge_index, W_root2, W_neigh2, b2)
    return jax.nn.log_softmax(h, axis=1)

if __name__ == "__main__":
    import jax
    _d = setup_inputs()
    print(jax.jit(kernel)(*tuple(_d.values())))

</pallas_src>

<mosaic_0001>
#map = affine_map<(d0, d1) -> (0, 0)>
module attributes {stable_mosaic.version = 14 : i64} {
  func.func @body(%arg0: i32, %arg1: i32, %arg2: memref<10240x128xf32, #tpu.memory_space<hbm>>, %arg3: memref<2560x128xi32, #tpu.memory_space<hbm>>, %arg4: memref<2560x128xi32, #tpu.memory_space<hbm>>, %arg5: memref<640x128xf32, #tpu.memory_space<hbm>>, %arg6: memref<10240x128xf32, #tpu.memory_space<hbm>>, %arg7: memref<10240x128xf32, #tpu.memory_space<hbm>>, %arg8: memref<2x8x128xi32, #tpu.memory_space<vmem>>, %arg9: memref<2x8x128xi32, #tpu.memory_space<vmem>>, %arg10: memref<2x128x128xf32, #tpu.memory_space<vmem>>, %arg11: memref<10240x128xf32, #tpu.memory_space<vmem_shared>>, %arg12: memref<!tpu.dma_semaphore, #tpu.memory_space<semaphore_mem>>, %arg13: memref<!tpu.dma_semaphore, #tpu.memory_space<semaphore_mem>>, %arg14: memref<!tpu.dma_semaphore, #tpu.memory_space<semaphore_mem>>) attributes {dimension_semantics = [#tpu.dimension_semantics<core_parallel>, #tpu.dimension_semantics<subcore_parallel>], iteration_bounds = array<i64: 2, 16>, scalar_prefetch = 0 : i64, scratch_operands = 7 : i64, tpu.core_type = #tpu.core_type<sc_vector_subcore>, window_params = [{transform_indices = #map}, {transform_indices = #map}, {transform_indices = #map}, {transform_indices = #map}, {transform_indices = #map}, {transform_indices = #map}]} {
    %mul3A = arith.constant 640 : i32
    %mul3A_0 = arith.muli %arg1, %mul3A : i32
    %eq3A = arith.constant 0 : i32
    %eq3A_1 = arith.cmpi eq, %arg0, %eq3A : i32
    %jit3A = arith.constant 80 : i32
    %jit3A_2 = arith.constant 80 : i32
    %select_n3A = arith.select %eq3A_1, %jit3A, %jit3A_2 : i32
    %jit3A_3 = arith.constant 8 : i32
    %div3A = arith.divsi %select_n3A, %jit3A_3 : i32
    %sign3A = arith.constant 0 : i32
    %sign3A_4 = arith.cmpi sgt, %select_n3A, %sign3A : i32
    %sign3A_5 = arith.extui %sign3A_4 : i1 to i32
    %sign3A_6 = arith.constant 0 : i32
    %sign3A_7 = arith.cmpi slt, %select_n3A, %sign3A_6 : i32
    %sign3A_8 = arith.extui %sign3A_7 : i1 to i32
    %sign3A_9 = arith.subi %sign3A_5, %sign3A_8 : i32
    %sign3A_10 = arith.constant 0 : i32
    %sign3A_11 = arith.cmpi sgt, %jit3A_3, %sign3A_10 : i32
    %sign3A_12 = arith.extui %sign3A_11 : i1 to i32
    %sign3A_13 = arith.constant 0 : i32
    %sign3A_14 = arith.cmpi slt, %jit3A_3, %sign3A_13 : i32
    %sign3A_15 = arith.extui %sign3A_14 : i1 to i32
    %sign3A_16 = arith.subi %sign3A_12, %sign3A_15 : i32
    %ne3A = arith.cmpi ne, %sign3A_9, %sign3A_16 : i32
    %rem3A = arith.remsi %select_n3A, %jit3A_3 : i32
    %ne3A_17 = arith.constant 0 : i32
    %ne3A_18 = arith.cmpi ne, %rem3A, %ne3A_17 : i32
    %and3A = arith.andi %ne3A, %ne3A_18 : i1
    %sub3A = arith.constant 1 : i32
    %sub3A_19 = arith.subi %div3A, %sub3A : i32
    %select_n3A_20 = arith.select %and3A, %sub3A_19, %div3A : i32
    %eq3A_21 = arith.constant 0 : i32
    %eq3A_22 = arith.cmpi eq, %arg0, %eq3A_21 : i32
    %mul3A_23 = arith.constant 80 : i32
    %mul3A_24 = arith.muli %arg1, %mul3A_23 : i32
    %mul3A_25 = arith.constant 80 : i32
    %mul3A_26 = arith.muli %arg1, %mul3A_25 : i32
    %add3A = arith.constant 1280 : i32
    %add3A_27 = arith.addi %add3A, %mul3A_26 : i32
    %select_n3A_28 = arith.select %eq3A_22, %mul3A_24, %add3A_27 : i32
    %rem3A_29 = arith.constant 0 : i32
    %rem3A_30 = arith.constant 2 : i32
    %rem3A_31 = arith.remsi %rem3A_29, %rem3A_30 : i32
    %add3A_32 = arith.constant 0 : i32
    %add3A_33 = arith.addi %select_n3A_28, %add3A_32 : i32
    %dma_start3A = arith.constant 0 : i32
    %dma_start3A_34 = arith.constant 0 : i32
    %dma_start3A_35 = tpu.memref_slice %arg8[%rem3A_31, %dma_start3A, %dma_start3A_34] : memref<2x8x128xi32, #tpu.memory_space<vmem>> -> memref<1x8x128xi32, #tpu.memory_space<vmem>>
    %dma_start3A_36 = tpu.memref_squeeze %dma_start3A_35 : memref<1x8x128xi32, #tpu.memory_space<vmem>> -> memref<8x128xi32, #tpu.memory_space<vmem>>
    %dma_start3A_37 = arith.constant 0 : i32
    %dma_start3A_38 = tpu.memref_slice %arg3[%add3A_33, %dma_start3A_37] : memref<2560x128xi32, #tpu.memory_space<hbm>> -> memref<8x128xi32, #tpu.memory_space<hbm>>
    %dma_start3A_39 = arith.constant 0 : i32
    %dma_start3A_40 = arith.constant 0 : i32
    %dma_start3A_41 = tpu.memref_slice %arg8[%rem3A_31, %dma_start3A_39, %dma_start3A_40] : memref<2x8x128xi32, #tpu.memory_space<vmem>> -> memref<1x8x128xi32, #tpu.memory_space<vmem>>
    %dma_start3A_42 = tpu.memref_squeeze %dma_start3A_41 : memref<1x8x128xi32, #tpu.memory_space<vmem>> -> memref<8x128xi32, #tpu.memory_space<vmem>>
    %dma_start3A_43 = arith.constant 0 : i32
    %dma_start3A_44 = tpu.memref_slice %arg3[%add3A_33, %dma_start3A_43] : memref<2560x128xi32, #tpu.memory_space<hbm>> -> memref<8x128xi32, #tpu.memory_space<hbm>>
    tpu.enqueue_dma source(%dma_start3A_44 : memref<8x128xi32, #tpu.memory_space<hbm>>) target(%dma_start3A_42 : memref<8x128xi32, #tpu.memory_space<vmem>>) target_semaphore(%arg14 : memref<!tpu.dma_semaphore, #tpu.memory_space<semaphore_mem>>)
    %dma_start3A_45 = arith.constant 0 : i32
    %dma_start3A_46 = arith.constant 0 : i32
    %dma_start3A_47 = tpu.memref_slice %arg9[%rem3A_31, %dma_start3A_45, %dma_start3A_46] : memref<2x8x128xi32, #tpu.memory_space<vmem>> -> memref<1x8x128xi32, #tpu.memory_space<vmem>>
    %dma_start3A_48 = tpu.memref_squeeze %dma_start3A_47 : memref<1x8x128xi32, #tpu.memory_space<vmem>> -> memref<8x128xi32, #tpu.memory_space<vmem>>
    %dma_start3A_49 = arith.constant 0 : i32
    %dma_start3A_50 = tpu.memref_slice %arg4[%add3A_33, %dma_start3A_49] : memref<2560x128xi32, #tpu.memory_space<hbm>> -> memref<8x128xi32, #tpu.memory_space<hbm>>
    %dma_start3A_51 = arith.constant 0 : i32
    %dma_start3A_52 = arith.constant 0 : i32
    %dma_start3A_53 = tpu.memref_slice %arg9[%rem3A_31, %dma_start3A_51, %dma_start3A_52] : memref<2x8x128xi32, #tpu.memory_space<vmem>> -> memref<1x8x128xi32, #tpu.memory_space<vmem>>
    %dma_start3A_54 = tpu.memref_squeeze %dma_start3A_53 : memref<1x8x128xi32, #tpu.memory_space<vmem>> -> memref<8x128xi32, #tpu.memory_space<vmem>>
    %dma_start3A_55 = arith.constant 0 : i32
    %dma_start3A_56 = tpu.memref_slice %arg4[%add3A_33, %dma_start3A_55] : memref<2560x128xi32, #tpu.memory_space<hbm>> -> memref<8x128xi32, #tpu.memory_space<hbm>>
    tpu.enqueue_dma source(%dma_start3A_56 : memref<8x128xi32, #tpu.memory_space<hbm>>) target(%dma_start3A_54 : memref<8x128xi32, #tpu.memory_space<vmem>>) target_semaphore(%arg14 : memref<!tpu.dma_semaphore, #tpu.memory_space<semaphore_mem>>)
    "tpu.region"() ({
      %run_scoped3A = tpu.sem_alloc : memref<!tpu.dma_semaphore, #tpu.memory_space<semaphore_mem>>
      %dma_start3A_183 = arith.constant 0 : i32
      %dma_start3A_184 = tpu.memref_slice %arg11[%mul3A_0, %dma_start3A_183] : memref<10240x128xf32, #tpu.memory_space<vmem_shared>> -> memref<640x128xf32, #tpu.memory_space<vmem_shared>>
      tpu.enqueue_dma source(%arg5 : memref<640x128xf32, #tpu.memory_space<hbm>>) target(%dma_start3A_184 : memref<640x128xf32, #tpu.memory_space<vmem_shared>>) target_semaphore(%run_scoped3A : memref<!tpu.dma_semaphore, #tpu.memory_space<semaphore_mem>>)
      %dma_wait3A_185 = arith.constant 0 : i32
      %dma_wait3A_186 = tpu.memref_slice %arg11[%mul3A_0, %dma_wait3A_185] : memref<10240x128xf32, #tpu.memory_space<vmem_shared>> -> memref<640x128xf32, #tpu.memory_space<vmem_shared>>
      tpu.wait_dma2 semaphore(%run_scoped3A : memref<!tpu.dma_semaphore, #tpu.memory_space<semaphore_mem>>) src(%arg5 : memref<640x128xf32, #tpu.memory_space<hbm>>) dst(%dma_wait3A_186 : memref<640x128xf32, #tpu.memory_space<vmem_shared>>)
      tpu.yield
    }) : () -> ()
    %barrier3A = arith.constant 0 : index
    tpu.barrier barrier_id(%barrier3A)
    %rem3A_57 = arith.constant 0 : i32
    %rem3A_58 = arith.constant 2 : i32
    %rem3A_59 = arith.remsi %rem3A_57, %rem3A_58 : i32
    %add3A_60 = arith.constant 0 : i32
    %add3A_61 = arith.addi %select_n3A_28, %add3A_60 : i32
    %dma_wait3A = arith.constant 0 : i32
    %dma_wait3A_62 = arith.constant 0 : i32
    %dma_wait3A_63 = tpu.memref_slice %arg8[%rem3A_59, %dma_wait3A, %dma_wait3A_62] : memref<2x8x128xi32, #tpu.memory_space<vmem>> -> memref<1x8x128xi32, #tpu.memory_space<vmem>>
    %dma_wait3A_64 = tpu.memref_squeeze %dma_wait3A_63 : memref<1x8x128xi32, #tpu.memory_space<vmem>> -> memref<8x128xi32, #tpu.memory_space<vmem>>
    %dma_wait3A_65 = arith.constant 0 : i32
    %dma_wait3A_66 = tpu.memref_slice %arg3[%add3A_61, %dma_wait3A_65] : memref<2560x128xi32, #tpu.memory_space<hbm>> -> memref<8x128xi32, #tpu.memory_space<hbm>>
    %dma_wait3A_67 = arith.constant 0 : i32
    %dma_wait3A_68 = arith.constant 0 : i32
    %dma_wait3A_69 = tpu.memref_slice %arg8[%rem3A_59, %dma_wait3A_67, %dma_wait3A_68] : memref<2x8x128xi32, #tpu.memory_space<vmem>> -> memref<1x8x128xi32, #tpu.memory_space<vmem>>
    %dma_wait3A_70 = tpu.memref_squeeze %dma_wait3A_69 : memref<1x8x128xi32, #tpu.memory_space<vmem>> -> memref<8x128xi32, #tpu.memory_space<vmem>>
    %dma_wait3A_71 = arith.constant 0 : i32
    %dma_wait3A_72 = tpu.memref_slice %arg3[%add3A_61, %dma_wait3A_71] : memref<2560x128xi32, #tpu.memory_space<hbm>> -> memref<8x128xi32, #tpu.memory_space<hbm>>
    tpu.wait_dma2 semaphore(%arg14 : memref<!tpu.dma_semaphore, #tpu.memory_space<semaphore_mem>>) src(%dma_wait3A_72 : memref<8x128xi32, #tpu.memory_space<hbm>>) dst(%dma_wait3A_70 : memref<8x128xi32, #tpu.memory_space<vmem>>)
    %dma_wait3A_73 = arith.constant 0 : i32
    %dma_wait3A_74 = arith.constant 0 : i32
    %dma_wait3A_75 = tpu.memref_slice %arg9[%rem3A_59, %dma_wait3A_73, %dma_wait3A_74] : memref<2x8x128xi32, #tpu.memory_space<vmem>> -> memref<1x8x128xi32, #tpu.memory_space<vmem>>
    %dma_wait3A_76 = tpu.memref_squeeze %dma_wait3A_75 : memref<1x8x128xi32, #tpu.memory_space<vmem>> -> memref<8x128xi32, #tpu.memory_space<vmem>>
    %dma_wait3A_77 = arith.constant 0 : i32
    %dma_wait3A_78 = tpu.memref_slice %arg4[%add3A_61, %dma_wait3A_77] : memref<2560x128xi32, #tpu.memory_space<hbm>> -> memref<8x128xi32, #tpu.memory_space<hbm>>
    %dma_wait3A_79 = arith.constant 0 : i32
    %dma_wait3A_80 = arith.constant 0 : i32
    %dma_wait3A_81 = tpu.memref_slice %arg9[%rem3A_59, %dma_wait3A_79, %dma_wait3A_80] : memref<2x8x128xi32, #tpu.memory_space<vmem>> -> memref<1x8x128xi32, #tpu.memory_space<vmem>>
    %dma_wait3A_82 = tpu.memref_squeeze %dma_wait3A_81 : memref<1x8x128xi32, #tpu.memory_space<vmem>> -> memref<8x128xi32, #tpu.memory_space<vmem>>
    %dma_wait3A_83 = arith.constant 0 : i32
    %dma_wait3A_84 = tpu.memref_slice %arg4[%add3A_61, %dma_wait3A_83] : memref<2560x128xi32, #tpu.memory_space<hbm>> -> memref<8x128xi32, #tpu.memory_space<hbm>>
    tpu.wait_dma2 semaphore(%arg14 : memref<!tpu.dma_semaphore, #tpu.memory_space<semaphore_mem>>) src(%dma_wait3A_84 : memref<8x128xi32, #tpu.memory_space<hbm>>) dst(%dma_wait3A_82 : memref<8x128xi32, #tpu.memory_space<vmem>>)
    %while3A = arith.constant 0 : i32
    %while3A_85 = arith.constant 0 : i32
    %while3A_86 = arith.subi %select_n3A, %while3A_85 : i32
    %while3A_87 = arith.addi %while3A_85, %while3A_86 : i32
    %while3A_88 = arith.constant 1 : i32
    %while3A_89 = arith.divsi %while3A_86, %while3A_88 : i32
    %while3A_90 = arith.muli %while3A_89, %while3A_88 : i32
    %while3A_91 = arith.addi %while3A_85, %while3A_90 : i32
    %while3A_92 = arith.constant 1 : i32
    scf.for %while3A_183 = %while3A_85 to %while3A_91 step %while3A_92  : i32 {
      %div3A_184 = arith.constant 8 : i32
      %div3A_185 = arith.divsi %while3A_183, %div3A_184 : i32
      %rem3A_186 = arith.constant 8 : i32
      %rem3A_187 = arith.remsi %while3A_183, %rem3A_186 : i32
      %eq3A_188 = arith.constant 0 : i32
      %eq3A_189 = arith.cmpi eq, %rem3A_187, %eq3A_188 : i32
      %gt3A = arith.constant 0 : i32
      %gt3A_190 = arith.cmpi sgt, %div3A_185, %gt3A : i32
      %and3A_191 = arith.andi %eq3A_189, %gt3A_190 : i1
      %convert_element_type3A_192 = arith.extui %and3A_191 : i1 to i32
      %cond3A_193 = arith.constant 0 : i32
      %cond3A_194 = arith.cmpi ne, %convert_element_type3A_192, %cond3A_193 : i32
      scf.if %cond3A_194 {
        %rem3A_230 = arith.constant 2 : i32
        %rem3A_231 = arith.remsi %div3A_185, %rem3A_230 : i32
        %mul3A_232 = arith.constant 8 : i32
        %mul3A_233 = arith.muli %div3A_185, %mul3A_232 : i32
        %add3A_234 = arith.addi %select_n3A_28, %mul3A_233 : i32
        %dma_wait3A_235 = arith.constant 0 : i32
        %dma_wait3A_236 = arith.constant 0 : i32
        %dma_wait3A_237 = tpu.memref_slice %arg8[%rem3A_231, %dma_wait3A_235, %dma_wait3A_236] : memref<2x8x128xi32, #tpu.memory_space<vmem>> -> memref<1x8x128xi32, #tpu.memory_space<vmem>>
        %dma_wait3A_238 = tpu.memref_squeeze %dma_wait3A_237 : memref<1x8x128xi32, #tpu.memory_space<vmem>> -> memref<8x128xi32, #tpu.memory_space<vmem>>
        %dma_wait3A_239 = arith.constant 0 : i32
        %dma_wait3A_240 = tpu.memref_slice %arg3[%add3A_234, %dma_wait3A_239] : memref<2560x128xi32, #tpu.memory_space<hbm>> -> memref<8x128xi32, #tpu.memory_space<hbm>>
        %dma_wait3A_241 = arith.constant 0 : i32
        %dma_wait3A_242 = arith.constant 0 : i32
        %dma_wait3A_243 = tpu.memref_slice %arg8[%rem3A_231, %dma_wait3A_241, %dma_wait3A_242] : memref<2x8x128xi32, #tpu.memory_space<vmem>> -> memref<1x8x128xi32, #tpu.memory_space<vmem>>
        %dma_wait3A_244 = tpu.memref_squeeze %dma_wait3A_243 : memref<1x8x128xi32, #tpu.memory_space<vmem>> -> memref<8x128xi32, #tpu.memory_space<vmem>>
        %dma_wait3A_245 = arith.constant 0 : i32
        %dma_wait3A_246 = tpu.memref_slice %arg3[%add3A_234, %dma_wait3A_245] : memref<2560x128xi32, #tpu.memory_space<hbm>> -> memref<8x128xi32, #tpu.memory_space<hbm>>
        tpu.wait_dma2 semaphore(%arg14 : memref<!tpu.dma_semaphore, #tpu.memory_space<semaphore_mem>>) src(%dma_wait3A_246 : memref<8x128xi32, #tpu.memory_space<hbm>>) dst(%dma_wait3A_244 : memref<8x128xi32, #tpu.memory_space<vmem>>)
        %dma_wait3A_247 = arith.constant 0 : i32
        %dma_wait3A_248 = arith.constant 0 : i32
        %dma_wait3A_249 = tpu.memref_slice %arg9[%rem3A_231, %dma_wait3A_247, %dma_wait3A_248] : memref<2x8x128xi32, #tpu.memory_space<vmem>> -> memref<1x8x128xi32, #tpu.memory_space<vmem>>
        %dma_wait3A_250 = tpu.memref_squeeze %dma_wait3A_249 : memref<1x8x128xi32, #tpu.memory_space<vmem>> -> memref<8x128xi32, #tpu.memory_space<vmem>>
        %dma_wait3A_251 = arith.constant 0 : i32
        %dma_wait3A_252 = tpu.memref_slice %arg4[%add3A_234, %dma_wait3A_251] : memref<2560x128xi32, #tpu.memory_space<hbm>> -> memref<8x128xi32, #tpu.memory_space<hbm>>
        %dma_wait3A_253 = arith.constant 0 : i32
        %dma_wait3A_254 = arith.constant 0 : i32
        %dma_wait3A_255 = tpu.memref_slice %arg9[%rem3A_231, %dma_wait3A_253, %dma_wait3A_254] : memref<2x8x128xi32, #tpu.memory_space<vmem>> -> memref<1x8x128xi32, #tpu.memory_space<vmem>>
        %dma_wait3A_256 = tpu.memref_squeeze %dma_wait3A_255 : memref<1x8x128xi32, #tpu.memory_space<vmem>> -> memref<8x128xi32, #tpu.memory_space<vmem>>
        %dma_wait3A_257 = arith.constant 0 : i32
        %dma_wait3A_258 = tpu.memref_slice %arg4[%add3A_234, %dma_wait3A_257] : memref<2560x128xi32, #tpu.memory_space<hbm>> -> memref<8x128xi32, #tpu.memory_space<hbm>>
        tpu.wait_dma2 semaphore(%arg14 : memref<!tpu.dma_semaphore, #tpu.memory_space<semaphore_mem>>) src(%dma_wait3A_258 : memref<8x128xi32, #tpu.memory_space<hbm>>) dst(%dma_wait3A_256 : memref<8x128xi32, #tpu.memory_space<vmem>>)
      } else {
      }
      %ge3A = arith.constant 2 : i32
      %ge3A_195 = arith.cmpi sge, %while3A_183, %ge3A : i32
      %convert_element_type3A_196 = arith.extui %ge3A_195 : i1 to i32
      %cond3A_197 = arith.constant 0 : i32
      %cond3A_198 = arith.cmpi ne, %convert_element_type3A_196, %cond3A_197 : i32
      scf.if %cond3A_198 {
        %sub3A_230 = arith.constant 2 : i32
        %sub3A_231 = arith.subi %while3A_183, %sub3A_230 : i32
        %div3A_232 = arith.constant 8 : i32
        %div3A_233 = arith.divsi %sub3A_231, %div3A_232 : i32
        %rem3A_234 = arith.constant 2 : i32
        %rem3A_235 = arith.remsi %div3A_233, %rem3A_234 : i32
        %rem3A_236 = arith.constant 8 : i32
        %rem3A_237 = arith.remsi %sub3A_231, %rem3A_236 : i32
        %rem3A_238 = arith.constant 2 : i32
        %rem3A_239 = arith.remsi %sub3A_231, %rem3A_238 : i32
        %dma_wait3A_240 = arith.constant 0 : i32
        %dma_wait3A_241 = arith.constant 0 : i32
        %dma_wait3A_242 = tpu.memref_slice %arg10[%rem3A_239, %dma_wait3A_240, %dma_wait3A_241] : memref<2x128x128xf32, #tpu.memory_space<vmem>> -> memref<1x128x128xf32, #tpu.memory_space<vmem>>
        %dma_wait3A_243 = tpu.memref_squeeze %dma_wait3A_242 : memref<1x128x128xf32, #tpu.memory_space<vmem>> -> memref<128x128xf32, #tpu.memory_space<vmem>>
        %dma_wait3A_244 = arith.constant 0 : i32
        %dma_wait3A_245 = tpu.memref_slice %arg9[%rem3A_235, %rem3A_237, %dma_wait3A_244] : memref<2x8x128xi32, #tpu.memory_space<vmem>> -> memref<1x1x128xi32, #tpu.memory_space<vmem>>
        %dma_wait3A_246 = tpu.memref_squeeze %dma_wait3A_245 : memref<1x1x128xi32, #tpu.memory_space<vmem>> -> memref<128xi32, #tpu.memory_space<vmem>>
        %dma_wait3A_247 = arith.constant 0 : i32
        %dma_wait3A_248 = arith.constant 0 : i32
        %dma_wait3A_249 = tpu.memref_slice %arg11[%dma_wait3A_247, %dma_wait3A_248] : memref<10240x128xf32, #tpu.memory_space<vmem_shared>> -> memref<10240x128xf32, #tpu.memory_space<vmem_shared>>
        tpu.wait_indirect_dma semaphore(%arg13 : memref<!tpu.dma_semaphore, #tpu.memory_space<semaphore_mem>>) src(%dma_wait3A_243 : memref<128x128xf32, #tpu.memory_space<vmem>>) dst(%dma_wait3A_249 : memref<10240x128xf32, #tpu.memory_space<vmem_shared>>)
      } else {
      }
      %div3A_199 = arith.constant 8 : i32
      %div3A_200 = arith.divsi %while3A_183, %div3A_199 : i32
      %rem3A_201 = arith.constant 2 : i32
      %rem3A_202 = arith.remsi %div3A_200, %rem3A_201 : i32
      %rem3A_203 = arith.constant 8 : i32
      %rem3A_204 = arith.remsi %while3A_183, %rem3A_203 : i32
      %rem3A_205 = arith.constant 2 : i32
      %rem3A_206 = arith.remsi %while3A_183, %rem3A_205 : i32
      %dma_start3A_207 = arith.constant 0 : i32
      %dma_start3A_208 = arith.constant 0 : i32
      %dma_start3A_209 = tpu.memref_slice %arg10[%rem3A_206, %dma_start3A_207, %dma_start3A_208] : memref<2x128x128xf32, #tpu.memory_space<vmem>> -> memref<1x128x128xf32, #tpu.memory_space<vmem>>
      %dma_start3A_210 = tpu.memref_squeeze %dma_start3A_209 : memref<1x128x128xf32, #tpu.memory_space<vmem>> -> memref<128x128xf32, #tpu.memory_space<vmem>>
      %dma_start3A_211 = arith.constant 0 : i32
      %dma_start3A_212 = tpu.memref_slice %arg8[%rem3A_202, %rem3A_204, %dma_start3A_211] : memref<2x8x128xi32, #tpu.memory_space<vmem>> -> memref<1x1x128xi32, #tpu.memory_space<vmem>>
      %dma_start3A_213 = tpu.memref_squeeze %dma_start3A_212 : memref<1x1x128xi32, #tpu.memory_space<vmem>> -> memref<128xi32, #tpu.memory_space<vmem>>
      %dma_start3A_214 = arith.constant 0 : i32
      %dma_start3A_215 = arith.constant 0 : i32
      %dma_start3A_216 = tpu.memref_slice %arg2[%dma_start3A_214, %dma_start3A_215] : memref<10240x128xf32, #tpu.memory_space<hbm>> -> memref<10240x128xf32, #tpu.memory_space<hbm>>
      tpu.enqueue_indirect_dma source(%dma_start3A_216 : memref<10240x128xf32, #tpu.memory_space<hbm>>) target(%dma_start3A_210 : memref<128x128xf32, #tpu.memory_space<vmem>>) offsets(%dma_start3A_213 : memref<128xi32, #tpu.memory_space<vmem>>) semaphore(%arg12 : memref<!tpu.dma_semaphore, #tpu.memory_space<semaphore_mem>>)
      %ge3A_217 = arith.constant 1 : i32
      %ge3A_218 = arith.cmpi sge, %while3A_183, %ge3A_217 : i32
      %convert_element_type3A_219 = arith.extui %ge3A_218 : i1 to i32
      %cond3A_220 = arith.constant 0 : i32
      %cond3A_221 = arith.cmpi ne, %convert_element_type3A_219, %cond3A_220 : i32
      scf.if %cond3A_221 {
        %sub3A_230 = arith.constant 1 : i32
        %sub3A_231 = arith.subi %while3A_183, %sub3A_230 : i32
        %div3A_232 = arith.constant 8 : i32
        %div3A_233 = arith.divsi %sub3A_231, %div3A_232 : i32
        %rem3A_234 = arith.constant 2 : i32
        %rem3A_235 = arith.remsi %div3A_233, %rem3A_234 : i32
        %rem3A_236 = arith.constant 8 : i32
        %rem3A_237 = arith.remsi %sub3A_231, %rem3A_236 : i32
        %rem3A_238 = arith.constant 2 : i32
        %rem3A_239 = arith.remsi %sub3A_231, %rem3A_238 : i32
        %dma_wait3A_240 = arith.constant 0 : i32
        %dma_wait3A_241 = arith.constant 0 : i32
        %dma_wait3A_242 = tpu.memref_slice %arg10[%rem3A_239, %dma_wait3A_240, %dma_wait3A_241] : memref<2x128x128xf32, #tpu.memory_space<vmem>> -> memref<1x128x128xf32, #tpu.memory_space<vmem>>
        %dma_wait3A_243 = tpu.memref_squeeze %dma_wait3A_242 : memref<1x128x128xf32, #tpu.memory_space<vmem>> -> memref<128x128xf32, #tpu.memory_space<vmem>>
        %dma_wait3A_244 = arith.constant 0 : i32
        %dma_wait3A_245 = tpu.memref_slice %arg8[%rem3A_235, %rem3A_237, %dma_wait3A_244] : memref<2x8x128xi32, #tpu.memory_space<vmem>> -> memref<1x1x128xi32, #tpu.memory_space<vmem>>
        %dma_wait3A_246 = tpu.memref_squeeze %dma_wait3A_245 : memref<1x1x128xi32, #tpu.memory_space<vmem>> -> memref<128xi32, #tpu.memory_space<vmem>>
        %dma_wait3A_247 = arith.constant 0 : i32
        %dma_wait3A_248 = arith.constant 0 : i32
        %dma_wait3A_249 = tpu.memref_slice %arg2[%dma_wait3A_247, %dma_wait3A_248] : memref<10240x128xf32, #tpu.memory_space<hbm>> -> memref<10240x128xf32, #tpu.memory_space<hbm>>
        tpu.wait_indirect_dma semaphore(%arg12 : memref<!tpu.dma_semaphore, #tpu.memory_space<semaphore_mem>>) src(%dma_wait3A_249 : memref<10240x128xf32, #tpu.memory_space<hbm>>) dst(%dma_wait3A_243 : memref<128x128xf32, #tpu.memory_space<vmem>>)
        %sub3A_250 = arith.constant 1 : i32
        %sub3A_251 = arith.subi %while3A_183, %sub3A_250 : i32
        %div3A_252 = arith.constant 8 : i32
        %div3A_253 = arith.divsi %sub3A_251, %div3A_252 : i32
        %rem3A_254 = arith.constant 2 : i32
        %rem3A_255 = arith.remsi %div3A_253, %rem3A_254 : i32
        %rem3A_256 = arith.constant 8 : i32
        %rem3A_257 = arith.remsi %sub3A_251, %rem3A_256 : i32
        %rem3A_258 = arith.constant 2 : i32
        %rem3A_259 = arith.remsi %sub3A_251, %rem3A_258 : i32
        %dma_start3A_260 = arith.constant 0 : i32
        %dma_start3A_261 = arith.constant 0 : i32
        %dma_start3A_262 = tpu.memref_slice %arg10[%rem3A_259, %dma_start3A_260, %dma_start3A_261] : memref<2x128x128xf32, #tpu.memory_space<vmem>> -> memref<1x128x128xf32, #tpu.memory_space<vmem>>
        %dma_start3A_263 = tpu.memref_squeeze %dma_start3A_262 : memref<1x128x128xf32, #tpu.memory_space<vmem>> -> memref<128x128xf32, #tpu.memory_space<vmem>>
        %dma_start3A_264 = arith.constant 0 : i32
        %dma_start3A_265 = tpu.memref_slice %arg9[%rem3A_255, %rem3A_257, %dma_start3A_264] : memref<2x8x128xi32, #tpu.memory_space<vmem>> -> memref<1x1x128xi32, #tpu.memory_space<vmem>>
        %dma_start3A_266 = tpu.memref_squeeze %dma_start3A_265 : memref<1x1x128xi32, #tpu.memory_space<vmem>> -> memref<128xi32, #tpu.memory_space<vmem>>
        %dma_start3A_267 = arith.constant 0 : i32
        %dma_start3A_268 = arith.constant 0 : i32
        %dma_start3A_269 = tpu.memref_slice %arg11[%dma_start3A_267, %dma_start3A_268] : memref<10240x128xf32, #tpu.memory_space<vmem_shared>> -> memref<10240x128xf32, #tpu.memory_space<vmem_shared>>
        tpu.enqueue_indirect_dma source(%dma_start3A_263 : memref<128x128xf32, #tpu.memory_space<vmem>>) target(%dma_start3A_269 : memref<10240x128xf32, #tpu.memory_space<vmem_shared>>) offsets(%dma_start3A_266 : memref<128xi32, #tpu.memory_space<vmem>>) semaphore(%arg13 : memref<!tpu.dma_semaphore, #tpu.memory_space<semaphore_mem>>) {add = true}
      } else {
      }
      %eq3A_222 = arith.constant 0 : i32
      %eq3A_223 = arith.cmpi eq, %rem3A_187, %eq3A_222 : i32
      %add3A_224 = arith.constant 1 : i32
      %add3A_225 = arith.addi %div3A_185, %add3A_224 : i32
      %lt3A = arith.cmpi slt, %add3A_225, %select_n3A_20 : i32
      %and3A_226 = arith.andi %eq3A_223, %lt3A : i1
      %convert_element_type3A_227 = arith.extui %and3A_226 : i1 to i32
      %cond3A_228 = arith.constant 0 : i32
      %cond3A_229 = arith.cmpi ne, %convert_element_type3A_227, %cond3A_228 : i32
      scf.if %cond3A_229 {
        %add3A_230 = arith.constant 1 : i32
        %add3A_231 = arith.addi %div3A_185, %add3A_230 : i32
        %rem3A_232 = arith.constant 2 : i32
        %rem3A_233 = arith.remsi %add3A_231, %rem3A_232 : i32
        %mul3A_234 = arith.constant 8 : i32
        %mul3A_235 = arith.muli %add3A_231, %mul3A_234 : i32
        %add3A_236 = arith.addi %select_n3A_28, %mul3A_235 : i32
        %dma_start3A_237 = arith.constant 0 : i32
        %dma_start3A_238 = arith.constant 0 : i32
        %dma_start3A_239 = tpu.memref_slice %arg8[%rem3A_233, %dma_start3A_237, %dma_start3A_238] : memref<2x8x128xi32, #tpu.memory_space<vmem>> -> memref<1x8x128xi32, #tpu.memory_space<vmem>>
        %dma_start3A_240 = tpu.memref_squeeze %dma_start3A_239 : memref<1x8x128xi32, #tpu.memory_space<vmem>> -> memref<8x128xi32, #tpu.memory_space<vmem>>
        %dma_start3A_241 = arith.constant 0 : i32
        %dma_start3A_242 = tpu.memref_slice %arg3[%add3A_236, %dma_start3A_241] : memref<2560x128xi32, #tpu.memory_space<hbm>> -> memref<8x128xi32, #tpu.memory_space<hbm>>
        %dma_start3A_243 = arith.constant 0 : i32
        %dma_start3A_244 = arith.constant 0 : i32
        %dma_start3A_245 = tpu.memref_slice %arg8[%rem3A_233, %dma_start3A_243, %dma_start3A_244] : memref<2x8x128xi32, #tpu.memory_space<vmem>> -> memref<1x8x128xi32, #tpu.memory_space<vmem>>
        %dma_start3A_246 = tpu.memref_squeeze %dma_start3A_245 : memref<1x8x128xi32, #tpu.memory_space<vmem>> -> memref<8x128xi32, #tpu.memory_space<vmem>>
        %dma_start3A_247 = arith.constant 0 : i32
        %dma_start3A_248 = tpu.memref_slice %arg3[%add3A_236, %dma_start3A_247] : memref<2560x128xi32, #tpu.memory_space<hbm>> -> memref<8x128xi32, #tpu.memory_space<hbm>>
        tpu.enqueue_dma source(%dma_start3A_248 : memref<8x128xi32, #tpu.memory_space<hbm>>) target(%dma_start3A_246 : memref<8x128xi32, #tpu.memory_space<vmem>>) target_semaphore(%arg14 : memref<!tpu.dma_semaphore, #tpu.memory_space<semaphore_mem>>)
        %dma_start3A_249 = arith.constant 0 : i32
        %dma_start3A_250 = arith.constant 0 : i32
        %dma_start3A_251 = tpu.memref_slice %arg9[%rem3A_233, %dma_start3A_249, %dma_start3A_250] : memref<2x8x128xi32, #tpu.memory_space<vmem>> -> memref<1x8x128xi32, #tpu.memory_space<vmem>>
        %dma_start3A_252 = tpu.memref_squeeze %dma_start3A_251 : memref<1x8x128xi32, #tpu.memory_space<vmem>> -> memref<8x128xi32, #tpu.memory_space<vmem>>
        %dma_start3A_253 = arith.constant 0 : i32
        %dma_start3A_254 = tpu.memref_slice %arg4[%add3A_236, %dma_start3A_253] : memref<2560x128xi32, #tpu.memory_space<hbm>> -> memref<8x128xi32, #tpu.memory_space<hbm>>
        %dma_start3A_255 = arith.constant 0 : i32
        %dma_start3A_256 = arith.constant 0 : i32
        %dma_start3A_257 = tpu.memref_slice %arg9[%rem3A_233, %dma_start3A_255, %dma_start3A_256] : memref<2x8x128xi32, #tpu.memory_space<vmem>> -> memref<1x8x128xi32, #tpu.memory_space<vmem>>
        %dma_start3A_258 = tpu.memref_squeeze %dma_start3A_257 : memref<1x8x128xi32, #tpu.memory_space<vmem>> -> memref<8x128xi32, #tpu.memory_space<vmem>>
        %dma_start3A_259 = arith.constant 0 : i32
        %dma_start3A_260 = tpu.memref_slice %arg4[%add3A_236, %dma_start3A_259] : memref<2560x128xi32, #tpu.memory_space<hbm>> -> memref<8x128xi32, #tpu.memory_space<hbm>>
        tpu.enqueue_dma source(%dma_start3A_260 : memref<8x128xi32, #tpu.memory_space<hbm>>) target(%dma_start3A_258 : memref<8x128xi32, #tpu.memory_space<vmem>>) target_semaphore(%arg14 : memref<!tpu.dma_semaphore, #tpu.memory_space<semaphore_mem>>)
      } else {
      }
    }
    %while3A_93 = arith.constant 1 : i32
    scf.for %while3A_183 = %while3A_91 to %while3A_87 step %while3A_93  : i32 {
      %div3A_184 = arith.constant 8 : i32
      %div3A_185 = arith.divsi %while3A_183, %div3A_184 : i32
      %rem3A_186 = arith.constant 8 : i32
      %rem3A_187 = arith.remsi %while3A_183, %rem3A_186 : i32
      %eq3A_188 = arith.constant 0 : i32
      %eq3A_189 = arith.cmpi eq, %rem3A_187, %eq3A_188 : i32
      %gt3A = arith.constant 0 : i32
      %gt3A_190 = arith.cmpi sgt, %div3A_185, %gt3A : i32
      %and3A_191 = arith.andi %eq3A_189, %gt3A_190 : i1
      %convert_element_type3A_192 = arith.extui %and3A_191 : i1 to i32
      %cond3A_193 = arith.constant 0 : i32
      %cond3A_194 = arith.cmpi ne, %convert_element_type3A_192, %cond3A_193 : i32
      scf.if %cond3A_194 {
        %rem3A_230 = arith.constant 2 : i32
        %rem3A_231 = arith.remsi %div3A_185, %rem3A_230 : i32
        %mul3A_232 = arith.constant 8 : i32
        %mul3A_233 = arith.muli %div3A_185, %mul3A_232 : i32
        %add3A_234 = arith.addi %select_n3A_28, %mul3A_233 : i32
        %dma_wait3A_235 = arith.constant 0 : i32
        %dma_wait3A_236 = arith.constant 0 : i32
        %dma_wait3A_237 = tpu.memref_slice %arg8[%rem3A_231, %dma_wait3A_235, %dma_wait3A_236] : memref<2x8x128xi32, #tpu.memory_space<vmem>> -> memref<1x8x128xi32, #tpu.memory_space<vmem>>
        %dma_wait3A_238 = tpu.memref_squeeze %dma_wait3A_237 : memref<1x8x128xi32, #tpu.memory_space<vmem>> -> memref<8x128xi32, #tpu.memory_space<vmem>>
        %dma_wait3A_239 = arith.constant 0 : i32
        %dma_wait3A_240 = tpu.memref_slice %arg3[%add3A_234, %dma_wait3A_239] : memref<2560x128xi32, #tpu.memory_space<hbm>> -> memref<8x128xi32, #tpu.memory_space<hbm>>
        %dma_wait3A_241 = arith.constant 0 : i32
        %dma_wait3A_242 = arith.constant 0 : i32
        %dma_wait3A_243 = tpu.memref_slice %arg8[%rem3A_231, %dma_wait3A_241, %dma_wait3A_242] : memref<2x8x128xi32, #tpu.memory_space<vmem>> -> memref<1x8x128xi32, #tpu.memory_space<vmem>>
        %dma_wait3A_244 = tpu.memref_squeeze %dma_wait3A_243 : memref<1x8x128xi32, #tpu.memory_space<vmem>> -> memref<8x128xi32, #tpu.memory_space<vmem>>
        %dma_wait3A_245 = arith.constant 0 : i32
        %dma_wait3A_246 = tpu.memref_slice %arg3[%add3A_234, %dma_wait3A_245] : memref<2560x128xi32, #tpu.memory_space<hbm>> -> memref<8x128xi32, #tpu.memory_space<hbm>>
        tpu.wait_dma2 semaphore(%arg14 : memref<!tpu.dma_semaphore, #tpu.memory_space<semaphore_mem>>) src(%dma_wait3A_246 : memref<8x128xi32, #tpu.memory_space<hbm>>) dst(%dma_wait3A_244 : memref<8x128xi32, #tpu.memory_space<vmem>>)
        %dma_wait3A_247 = arith.constant 0 : i32
        %dma_wait3A_248 = arith.constant 0 : i32
        %dma_wait3A_249 = tpu.memref_slice %arg9[%rem3A_231, %dma_wait3A_247, %dma_wait3A_248] : memref<2x8x128xi32, #tpu.memory_space<vmem>> -> memref<1x8x128xi32, #tpu.memory_space<vmem>>
        %dma_wait3A_250 = tpu.memref_squeeze %dma_wait3A_249 : memref<1x8x128xi32, #tpu.memory_space<vmem>> -> memref<8x128xi32, #tpu.memory_space<vmem>>
        %dma_wait3A_251 = arith.constant 0 : i32
        %dma_wait3A_252 = tpu.memref_slice %arg4[%add3A_234, %dma_wait3A_251] : memref<2560x128xi32, #tpu.memory_space<hbm>> -> memref<8x128xi32, #tpu.memory_space<hbm>>
        %dma_wait3A_253 = arith.constant 0 : i32
        %dma_wait3A_254 = arith.constant 0 : i32
        %dma_wait3A_255 = tpu.memref_slice %arg9[%rem3A_231, %dma_wait3A_253, %dma_wait3A_254] : memref<2x8x128xi32, #tpu.memory_space<vmem>> -> memref<1x8x128xi32, #tpu.memory_space<vmem>>
        %dma_wait3A_256 = tpu.memref_squeeze %dma_wait3A_255 : memref<1x8x128xi32, #tpu.memory_space<vmem>> -> memref<8x128xi32, #tpu.memory_space<vmem>>
        %dma_wait3A_257 = arith.constant 0 : i32
        %dma_wait3A_258 = tpu.memref_slice %arg4[%add3A_234, %dma_wait3A_257] : memref<2560x128xi32, #tpu.memory_space<hbm>> -> memref<8x128xi32, #tpu.memory_space<hbm>>
        tpu.wait_dma2 semaphore(%arg14 : memref<!tpu.dma_semaphore, #tpu.memory_space<semaphore_mem>>) src(%dma_wait3A_258 : memref<8x128xi32, #tpu.memory_space<hbm>>) dst(%dma_wait3A_256 : memref<8x128xi32, #tpu.memory_space<vmem>>)
      } else {
      }
      %ge3A = arith.constant 2 : i32
      %ge3A_195 = arith.cmpi sge, %while3A_183, %ge3A : i32
      %convert_element_type3A_196 = arith.extui %ge3A_195 : i1 to i32
      %cond3A_197 = arith.constant 0 : i32
      %cond3A_198 = arith.cmpi ne, %convert_element_type3A_196, %cond3A_197 : i32
      scf.if %cond3A_198 {
        %sub3A_230 = arith.constant 2 : i32
        %sub3A_231 = arith.subi %while3A_183, %sub3A_230 : i32
        %div3A_232 = arith.constant 8 : i32
        %div3A_233 = arith.divsi %sub3A_231, %div3A_232 : i32
        %rem3A_234 = arith.constant 2 : i32
        %rem3A_235 = arith.remsi %div3A_233, %rem3A_234 : i32
        %rem3A_236 = arith.constant 8 : i32
        %rem3A_237 = arith.remsi %sub3A_231, %rem3A_236 : i32
        %rem3A_238 = arith.constant 2 : i32
        %rem3A_239 = arith.remsi %sub3A_231, %rem3A_238 : i32
        %dma_wait3A_240 = arith.constant 0 : i32
        %dma_wait3A_241 = arith.constant 0 : i32
        %dma_wait3A_242 = tpu.memref_slice %arg10[%rem3A_239, %dma_wait3A_240, %dma_wait3A_241] : memref<2x128x128xf32, #tpu.memory_space<vmem>> -> memref<1x128x128xf32, #tpu.memory_space<vmem>>
        %dma_wait3A_243 = tpu.memref_squeeze %dma_wait3A_242 : memref<1x128x128xf32, #tpu.memory_space<vmem>> -> memref<128x128xf32, #tpu.memory_space<vmem>>
        %dma_wait3A_244 = arith.constant 0 : i32
        %dma_wait3A_245 = tpu.memref_slice %arg9[%rem3A_235, %rem3A_237, %dma_wait3A_244] : memref<2x8x128xi32, #tpu.memory_space<vmem>> -> memref<1x1x128xi32, #tpu.memory_space<vmem>>
        %dma_wait3A_246 = tpu.memref_squeeze %dma_wait3A_245 : memref<1x1x128xi32, #tpu.memory_space<vmem>> -> memref<128xi32, #tpu.memory_space<vmem>>
        %dma_wait3A_247 = arith.constant 0 : i32
        %dma_wait3A_248 = arith.constant 0 : i32
        %dma_wait3A_249 = tpu.memref_slice %arg11[%dma_wait3A_247, %dma_wait3A_248] : memref<10240x128xf32, #tpu.memory_space<vmem_shared>> -> memref<10240x128xf32, #tpu.memory_space<vmem_shared>>
        tpu.wait_indirect_dma semaphore(%arg13 : memref<!tpu.dma_semaphore, #tpu.memory_space<semaphore_mem>>) src(%dma_wait3A_243 : memref<128x128xf32, #tpu.memory_space<vmem>>) dst(%dma_wait3A_249 : memref<10240x128xf32, #tpu.memory_space<vmem_shared>>)
      } else {
      }
      %div3A_199 = arith.constant 8 : i32
      %div3A_200 = arith.divsi %while3A_183, %div3A_199 : i32
      %rem3A_201 = arith.constant 2 : i32
      %rem3A_202 = arith.remsi %div3A_200, %rem3A_201 : i32
      %rem3A_203 = arith.constant 8 : i32
      %rem3A_204 = arith.remsi %while3A_183, %rem3A_203 : i32
      %rem3A_205 = arith.constant 2 : i32
      %rem3A_206 = arith.remsi %while3A_183, %rem3A_205 : i32
      %dma_start3A_207 = arith.constant 0 : i32
      %dma_start3A_208 = arith.constant 0 : i32
      %dma_start3A_209 = tpu.memref_slice %arg10[%rem3A_206, %dma_start3A_207, %dma_start3A_208] : memref<2x128x128xf32, #tpu.memory_space<vmem>> -> memref<1x128x128xf32, #tpu.memory_space<vmem>>
      %dma_start3A_210 = tpu.memref_squeeze %dma_start3A_209 : memref<1x128x128xf32, #tpu.memory_space<vmem>> -> memref<128x128xf32, #tpu.memory_space<vmem>>
      %dma_start3A_211 = arith.constant 0 : i32
      %dma_start3A_212 = tpu.memref_slice %arg8[%rem3A_202, %rem3A_204, %dma_start3A_211] : memref<2x8x128xi32, #tpu.memory_space<vmem>> -> memref<1x1x128xi32, #tpu.memory_space<vmem>>
      %dma_start3A_213 = tpu.memref_squeeze %dma_start3A_212 : memref<1x1x128xi32, #tpu.memory_space<vmem>> -> memref<128xi32, #tpu.memory_space<vmem>>
      %dma_start3A_214 = arith.constant 0 : i32
      %dma_start3A_215 = arith.constant 0 : i32
      %dma_start3A_216 = tpu.memref_slice %arg2[%dma_start3A_214, %dma_start3A_215] : memref<10240x128xf32, #tpu.memory_space<hbm>> -> memref<10240x128xf32, #tpu.memory_space<hbm>>
      tpu.enqueue_indirect_dma source(%dma_start3A_216 : memref<10240x128xf32, #tpu.memory_space<hbm>>) target(%dma_start3A_210 : memref<128x128xf32, #tpu.memory_space<vmem>>) offsets(%dma_start3A_213 : memref<128xi32, #tpu.memory_space<vmem>>) semaphore(%arg12 : memref<!tpu.dma_semaphore, #tpu.memory_space<semaphore_mem>>)
      %ge3A_217 = arith.constant 1 : i32
      %ge3A_218 = arith.cmpi sge, %while3A_183, %ge3A_217 : i32
      %convert_element_type3A_219 = arith.extui %ge3A_218 : i1 to i32
      %cond3A_220 = arith.constant 0 : i32
      %cond3A_221 = arith.cmpi ne, %convert_element_type3A_219, %cond3A_220 : i32
      scf.if %cond3A_221 {
        %sub3A_230 = arith.constant 1 : i32
        %sub3A_231 = arith.subi %while3A_183, %sub3A_230 : i32
        %div3A_232 = arith.constant 8 : i32
        %div3A_233 = arith.divsi %sub3A_231, %div3A_232 : i32
        %rem3A_234 = arith.constant 2 : i32
        %rem3A_235 = arith.remsi %div3A_233, %rem3A_234 : i32
        %rem3A_236 = arith.constant 8 : i32
        %rem3A_237 = arith.remsi %sub3A_231, %rem3A_236 : i32
        %rem3A_238 = arith.constant 2 : i32
        %rem3A_239 = arith.remsi %sub3A_231, %rem3A_238 : i32
        %dma_wait3A_240 = arith.constant 0 : i32
        %dma_wait3A_241 = arith.constant 0 : i32
        %dma_wait3A_242 = tpu.memref_slice %arg10[%rem3A_239, %dma_wait3A_240, %dma_wait3A_241] : memref<2x128x128xf32, #tpu.memory_space<vmem>> -> memref<1x128x128xf32, #tpu.memory_space<vmem>>
        %dma_wait3A_243 = tpu.memref_squeeze %dma_wait3A_242 : memref<1x128x128xf32, #tpu.memory_space<vmem>> -> memref<128x128xf32, #tpu.memory_space<vmem>>
        %dma_wait3A_244 = arith.constant 0 : i32
        %dma_wait3A_245 = tpu.memref_slice %arg8[%rem3A_235, %rem3A_237, %dma_wait3A_244] : memref<2x8x128xi32, #tpu.memory_space<vmem>> -> memref<1x1x128xi32, #tpu.memory_space<vmem>>
        %dma_wait3A_246 = tpu.memref_squeeze %dma_wait3A_245 : memref<1x1x128xi32, #tpu.memory_space<vmem>> -> memref<128xi32, #tpu.memory_space<vmem>>
        %dma_wait3A_247 = arith.constant 0 : i32
        %dma_wait3A_248 = arith.constant 0 : i32
        %dma_wait3A_249 = tpu.memref_slice %arg2[%dma_wait3A_247, %dma_wait3A_248] : memref<10240x128xf32, #tpu.memory_space<hbm>> -> memref<10240x128xf32, #tpu.memory_space<hbm>>
        tpu.wait_indirect_dma semaphore(%arg12 : memref<!tpu.dma_semaphore, #tpu.memory_space<semaphore_mem>>) src(%dma_wait3A_249 : memref<10240x128xf32, #tpu.memory_space<hbm>>) dst(%dma_wait3A_243 : memref<128x128xf32, #tpu.memory_space<vmem>>)
        %sub3A_250 = arith.constant 1 : i32
        %sub3A_251 = arith.subi %while3A_183, %sub3A_250 : i32
        %div3A_252 = arith.constant 8 : i32
        %div3A_253 = arith.divsi %sub3A_251, %div3A_252 : i32
        %rem3A_254 = arith.constant 2 : i32
        %rem3A_255 = arith.remsi %div3A_253, %rem3A_254 : i32
        %rem3A_256 = arith.constant 8 : i32
        %rem3A_257 = arith.remsi %sub3A_251, %rem3A_256 : i32
        %rem3A_258 = arith.constant 2 : i32
        %rem3A_259 = arith.remsi %sub3A_251, %rem3A_258 : i32
        %dma_start3A_260 = arith.constant 0 : i32
        %dma_start3A_261 = arith.constant 0 : i32
        %dma_start3A_262 = tpu.memref_slice %arg10[%rem3A_259, %dma_start3A_260, %dma_start3A_261] : memref<2x128x128xf32, #tpu.memory_space<vmem>> -> memref<1x128x128xf32, #tpu.memory_space<vmem>>
        %dma_start3A_263 = tpu.memref_squeeze %dma_start3A_262 : memref<1x128x128xf32, #tpu.memory_space<vmem>> -> memref<128x128xf32, #tpu.memory_space<vmem>>
        %dma_start3A_264 = arith.constant 0 : i32
        %dma_start3A_265 = tpu.memref_slice %arg9[%rem3A_255, %rem3A_257, %dma_start3A_264] : memref<2x8x128xi32, #tpu.memory_space<vmem>> -> memref<1x1x128xi32, #tpu.memory_space<vmem>>
        %dma_start3A_266 = tpu.memref_squeeze %dma_start3A_265 : memref<1x1x128xi32, #tpu.memory_space<vmem>> -> memref<128xi32, #tpu.memory_space<vmem>>
        %dma_start3A_267 = arith.constant 0 : i32
        %dma_start3A_268 = arith.constant 0 : i32
        %dma_start3A_269 = tpu.memref_slice %arg11[%dma_start3A_267, %dma_start3A_268] : memref<10240x128xf32, #tpu.memory_space<vmem_shared>> -> memref<10240x128xf32, #tpu.memory_space<vmem_shared>>
        tpu.enqueue_indirect_dma source(%dma_start3A_263 : memref<128x128xf32, #tpu.memory_space<vmem>>) target(%dma_start3A_269 : memref<10240x128xf32, #tpu.memory_space<vmem_shared>>) offsets(%dma_start3A_266 : memref<128xi32, #tpu.memory_space<vmem>>) semaphore(%arg13 : memref<!tpu.dma_semaphore, #tpu.memory_space<semaphore_mem>>) {add = true}
      } else {
      }
      %eq3A_222 = arith.constant 0 : i32
      %eq3A_223 = arith.cmpi eq, %rem3A_187, %eq3A_222 : i32
      %add3A_224 = arith.constant 1 : i32
      %add3A_225 = arith.addi %div3A_185, %add3A_224 : i32
      %lt3A = arith.cmpi slt, %add3A_225, %select_n3A_20 : i32
      %and3A_226 = arith.andi %eq3A_223, %lt3A : i1
      %convert_element_type3A_227 = arith.extui %and3A_226 : i1 to i32
      %cond3A_228 = arith.constant 0 : i32
      %cond3A_229 = arith.cmpi ne, %convert_element_type3A_227, %cond3A_228 : i32
      scf.if %cond3A_229 {
        %add3A_230 = arith.constant 1 : i32
        %add3A_231 = arith.addi %div3A_185, %add3A_230 : i32
        %rem3A_232 = arith.constant 2 : i32
        %rem3A_233 = arith.remsi %add3A_231, %rem3A_232 : i32
        %mul3A_234 = arith.constant 8 : i32
        %mul3A_235 = arith.muli %add3A_231, %mul3A_234 : i32
        %add3A_236 = arith.addi %select_n3A_28, %mul3A_235 : i32
        %dma_start3A_237 = arith.constant 0 : i32
        %dma_start3A_238 = arith.constant 0 : i32
        %dma_start3A_239 = tpu.memref_slice %arg8[%rem3A_233, %dma_start3A_237, %dma_start3A_238] : memref<2x8x128xi32, #tpu.memory_space<vmem>> -> memref<1x8x128xi32, #tpu.memory_space<vmem>>
        %dma_start3A_240 = tpu.memref_squeeze %dma_start3A_239 : memref<1x8x128xi32, #tpu.memory_space<vmem>> -> memref<8x128xi32, #tpu.memory_space<vmem>>
        %dma_start3A_241 = arith.constant 0 : i32
        %dma_start3A_242 = tpu.memref_slice %arg3[%add3A_236, %dma_start3A_241] : memref<2560x128xi32, #tpu.memory_space<hbm>> -> memref<8x128xi32, #tpu.memory_space<hbm>>
        %dma_start3A_243 = arith.constant 0 : i32
        %dma_start3A_244 = arith.constant 0 : i32
        %dma_start3A_245 = tpu.memref_slice %arg8[%rem3A_233, %dma_start3A_243, %dma_start3A_244] : memref<2x8x128xi32, #tpu.memory_space<vmem>> -> memref<1x8x128xi32, #tpu.memory_space<vmem>>
        %dma_start3A_246 = tpu.memref_squeeze %dma_start3A_245 : memref<1x8x128xi32, #tpu.memory_space<vmem>> -> memref<8x128xi32, #tpu.memory_space<vmem>>
        %dma_start3A_247 = arith.constant 0 : i32
        %dma_start3A_248 = tpu.memref_slice %arg3[%add3A_236, %dma_start3A_247] : memref<2560x128xi32, #tpu.memory_space<hbm>> -> memref<8x128xi32, #tpu.memory_space<hbm>>
        tpu.enqueue_dma source(%dma_start3A_248 : memref<8x128xi32, #tpu.memory_space<hbm>>) target(%dma_start3A_246 : memref<8x128xi32, #tpu.memory_space<vmem>>) target_semaphore(%arg14 : memref<!tpu.dma_semaphore, #tpu.memory_space<semaphore_mem>>)
        %dma_start3A_249 = arith.constant 0 : i32
        %dma_start3A_250 = arith.constant 0 : i32
        %dma_start3A_251 = tpu.memref_slice %arg9[%rem3A_233, %dma_start3A_249, %dma_start3A_250] : memref<2x8x128xi32, #tpu.memory_space<vmem>> -> memref<1x8x128xi32, #tpu.memory_space<vmem>>
        %dma_start3A_252 = tpu.memref_squeeze %dma_start3A_251 : memref<1x8x128xi32, #tpu.memory_space<vmem>> -> memref<8x128xi32, #tpu.memory_space<vmem>>
        %dma_start3A_253 = arith.constant 0 : i32
        %dma_start3A_254 = tpu.memref_slice %arg4[%add3A_236, %dma_start3A_253] : memref<2560x128xi32, #tpu.memory_space<hbm>> -> memref<8x128xi32, #tpu.memory_space<hbm>>
        %dma_start3A_255 = arith.constant 0 : i32
        %dma_start3A_256 = arith.constant 0 : i32
        %dma_start3A_257 = tpu.memref_slice %arg9[%rem3A_233, %dma_start3A_255, %dma_start3A_256] : memref<2x8x128xi32, #tpu.memory_space<vmem>> -> memref<1x8x128xi32, #tpu.memory_space<vmem>>
        %dma_start3A_258 = tpu.memref_squeeze %dma_start3A_257 : memref<1x8x128xi32, #tpu.memory_space<vmem>> -> memref<8x128xi32, #tpu.memory_space<vmem>>
        %dma_start3A_259 = arith.constant 0 : i32
        %dma_start3A_260 = tpu.memref_slice %arg4[%add3A_236, %dma_start3A_259] : memref<2560x128xi32, #tpu.memory_space<hbm>> -> memref<8x128xi32, #tpu.memory_space<hbm>>
        tpu.enqueue_dma source(%dma_start3A_260 : memref<8x128xi32, #tpu.memory_space<hbm>>) target(%dma_start3A_258 : memref<8x128xi32, #tpu.memory_space<vmem>>) target_semaphore(%arg14 : memref<!tpu.dma_semaphore, #tpu.memory_space<semaphore_mem>>)
      } else {
      }
    }
    %sub3A_94 = arith.constant 1 : i32
    %sub3A_95 = arith.subi %select_n3A, %sub3A_94 : i32
    %div3A_96 = arith.constant 8 : i32
    %div3A_97 = arith.divsi %sub3A_95, %div3A_96 : i32
    %rem3A_98 = arith.constant 2 : i32
    %rem3A_99 = arith.remsi %div3A_97, %rem3A_98 : i32
    %rem3A_100 = arith.constant 8 : i32
    %rem3A_101 = arith.remsi %sub3A_95, %rem3A_100 : i32
    %rem3A_102 = arith.constant 2 : i32
    %rem3A_103 = arith.remsi %sub3A_95, %rem3A_102 : i32
    %dma_wait3A_104 = arith.constant 0 : i32
    %dma_wait3A_105 = arith.constant 0 : i32
    %dma_wait3A_106 = tpu.memref_slice %arg10[%rem3A_103, %dma_wait3A_104, %dma_wait3A_105] : memref<2x128x128xf32, #tpu.memory_space<vmem>> -> memref<1x128x128xf32, #tpu.memory_space<vmem>>
    %dma_wait3A_107 = tpu.memref_squeeze %dma_wait3A_106 : memref<1x128x128xf32, #tpu.memory_space<vmem>> -> memref<128x128xf32, #tpu.memory_space<vmem>>
    %dma_wait3A_108 = arith.constant 0 : i32
    %dma_wait3A_109 = tpu.memref_slice %arg8[%rem3A_99, %rem3A_101, %dma_wait3A_108] : memref<2x8x128xi32, #tpu.memory_space<vmem>> -> memref<1x1x128xi32, #tpu.memory_space<vmem>>
    %dma_wait3A_110 = tpu.memref_squeeze %dma_wait3A_109 : memref<1x1x128xi32, #tpu.memory_space<vmem>> -> memref<128xi32, #tpu.memory_space<vmem>>
    %dma_wait3A_111 = arith.constant 0 : i32
    %dma_wait3A_112 = arith.constant 0 : i32
    %dma_wait3A_113 = tpu.memref_slice %arg2[%dma_wait3A_111, %dma_wait3A_112] : memref<10240x128xf32, #tpu.memory_space<hbm>> -> memref<10240x128xf32, #tpu.memory_space<hbm>>
    tpu.wait_indirect_dma semaphore(%arg12 : memref<!tpu.dma_semaphore, #tpu.memory_space<semaphore_mem>>) src(%dma_wait3A_113 : memref<10240x128xf32, #tpu.memory_space<hbm>>) dst(%dma_wait3A_107 : memref<128x128xf32, #tpu.memory_space<vmem>>)
    %sub3A_114 = arith.constant 1 : i32
    %sub3A_115 = arith.subi %select_n3A, %sub3A_114 : i32
    %div3A_116 = arith.constant 8 : i32
    %div3A_117 = arith.divsi %sub3A_115, %div3A_116 : i32
    %rem3A_118 = arith.constant 2 : i32
    %rem3A_119 = arith.remsi %div3A_117, %rem3A_118 : i32
    %rem3A_120 = arith.constant 8 : i32
    %rem3A_121 = arith.remsi %sub3A_115, %rem3A_120 : i32
    %rem3A_122 = arith.constant 2 : i32
    %rem3A_123 = arith.remsi %sub3A_115, %rem3A_122 : i32
    %dma_start3A_124 = arith.constant 0 : i32
    %dma_start3A_125 = arith.constant 0 : i32
    %dma_start3A_126 = tpu.memref_slice %arg10[%rem3A_123, %dma_start3A_124, %dma_start3A_125] : memref<2x128x128xf32, #tpu.memory_space<vmem>> -> memref<1x128x128xf32, #tpu.memory_space<vmem>>
    %dma_start3A_127 = tpu.memref_squeeze %dma_start3A_126 : memref<1x128x128xf32, #tpu.memory_space<vmem>> -> memref<128x128xf32, #tpu.memory_space<vmem>>
    %dma_start3A_128 = arith.constant 0 : i32
    %dma_start3A_129 = tpu.memref_slice %arg9[%rem3A_119, %rem3A_121, %dma_start3A_128] : memref<2x8x128xi32, #tpu.memory_space<vmem>> -> memref<1x1x128xi32, #tpu.memory_space<vmem>>
    %dma_start3A_130 = tpu.memref_squeeze %dma_start3A_129 : memref<1x1x128xi32, #tpu.memory_space<vmem>> -> memref<128xi32, #tpu.memory_space<vmem>>
    %dma_start3A_131 = arith.constant 0 : i32
    %dma_start3A_132 = arith.constant 0 : i32
    %dma_start3A_133 = tpu.memref_slice %arg11[%dma_start3A_131, %dma_start3A_132] : memref<10240x128xf32, #tpu.memory_space<vmem_shared>> -> memref<10240x128xf32, #tpu.memory_space<vmem_shared>>
    tpu.enqueue_indirect_dma source(%dma_start3A_127 : memref<128x128xf32, #tpu.memory_space<vmem>>) target(%dma_start3A_133 : memref<10240x128xf32, #tpu.memory_space<vmem_shared>>) offsets(%dma_start3A_130 : memref<128xi32, #tpu.memory_space<vmem>>) semaphore(%arg13 : memref<!tpu.dma_semaphore, #tpu.memory_space<semaphore_mem>>) {add = true}
    %sub3A_134 = arith.constant 2 : i32
    %sub3A_135 = arith.subi %select_n3A, %sub3A_134 : i32
    %div3A_136 = arith.constant 8 : i32
    %div3A_137 = arith.divsi %sub3A_135, %div3A_136 : i32
    %rem3A_138 = arith.constant 2 : i32
    %rem3A_139 = arith.remsi %div3A_137, %rem3A_138 : i32
    %rem3A_140 = arith.constant 8 : i32
    %rem3A_141 = arith.remsi %sub3A_135, %rem3A_140 : i32
    %rem3A_142 = arith.constant 2 : i32
    %rem3A_143 = arith.remsi %sub3A_135, %rem3A_142 : i32
    %dma_wait3A_144 = arith.constant 0 : i32
    %dma_wait3A_145 = arith.constant 0 : i32
    %dma_wait3A_146 = tpu.memref_slice %arg10[%rem3A_143, %dma_wait3A_144, %dma_wait3A_145] : memref<2x128x128xf32, #tpu.memory_space<vmem>> -> memref<1x128x128xf32, #tpu.memory_space<vmem>>
    %dma_wait3A_147 = tpu.memref_squeeze %dma_wait3A_146 : memref<1x128x128xf32, #tpu.memory_space<vmem>> -> memref<128x128xf32, #tpu.memory_space<vmem>>
    %dma_wait3A_148 = arith.constant 0 : i32
    %dma_wait3A_149 = tpu.memref_slice %arg9[%rem3A_139, %rem3A_141, %dma_wait3A_148] : memref<2x8x128xi32, #tpu.memory_space<vmem>> -> memref<1x1x128xi32, #tpu.memory_space<vmem>>
    %dma_wait3A_150 = tpu.memref_squeeze %dma_wait3A_149 : memref<1x1x128xi32, #tpu.memory_space<vmem>> -> memref<128xi32, #tpu.memory_space<vmem>>
    %dma_wait3A_151 = arith.constant 0 : i32
    %dma_wait3A_152 = arith.constant 0 : i32
    %dma_wait3A_153 = tpu.memref_slice %arg11[%dma_wait3A_151, %dma_wait3A_152] : memref<10240x128xf32, #tpu.memory_space<vmem_shared>> -> memref<10240x128xf32, #tpu.memory_space<vmem_shared>>
    tpu.wait_indirect_dma semaphore(%arg13 : memref<!tpu.dma_semaphore, #tpu.memory_space<semaphore_mem>>) src(%dma_wait3A_147 : memref<128x128xf32, #tpu.memory_space<vmem>>) dst(%dma_wait3A_153 : memref<10240x128xf32, #tpu.memory_space<vmem_shared>>)
    %sub3A_154 = arith.constant 1 : i32
    %sub3A_155 = arith.subi %select_n3A, %sub3A_154 : i32
    %div3A_156 = arith.constant 8 : i32
    %div3A_157 = arith.divsi %sub3A_155, %div3A_156 : i32
    %rem3A_158 = arith.constant 2 : i32
    %rem3A_159 = arith.remsi %div3A_157, %rem3A_158 : i32
    %rem3A_160 = arith.constant 8 : i32
    %rem3A_161 = arith.remsi %sub3A_155, %rem3A_160 : i32
    %rem3A_162 = arith.constant 2 : i32
    %rem3A_163 = arith.remsi %sub3A_155, %rem3A_162 : i32
    %dma_wait3A_164 = arith.constant 0 : i32
    %dma_wait3A_165 = arith.constant 0 : i32
    %dma_wait3A_166 = tpu.memref_slice %arg10[%rem3A_163, %dma_wait3A_164, %dma_wait3A_165] : memref<2x128x128xf32, #tpu.memory_space<vmem>> -> memref<1x128x128xf32, #tpu.memory_space<vmem>>
    %dma_wait3A_167 = tpu.memref_squeeze %dma_wait3A_166 : memref<1x128x128xf32, #tpu.memory_space<vmem>> -> memref<128x128xf32, #tpu.memory_space<vmem>>
    %dma_wait3A_168 = arith.constant 0 : i32
    %dma_wait3A_169 = tpu.memref_slice %arg9[%rem3A_159, %rem3A_161, %dma_wait3A_168] : memref<2x8x128xi32, #tpu.memory_space<vmem>> -> memref<1x1x128xi32, #tpu.memory_space<vmem>>
    %dma_wait3A_170 = tpu.memref_squeeze %dma_wait3A_169 : memref<1x1x128xi32, #tpu.memory_space<vmem>> -> memref<128xi32, #tpu.memory_space<vmem>>
    %dma_wait3A_171 = arith.constant 0 : i32
    %dma_wait3A_172 = arith.constant 0 : i32
    %dma_wait3A_173 = tpu.memref_slice %arg11[%dma_wait3A_171, %dma_wait3A_172] : memref<10240x128xf32, #tpu.memory_space<vmem_shared>> -> memref<10240x128xf32, #tpu.memory_space<vmem_shared>>
    tpu.wait_indirect_dma semaphore(%arg13 : memref<!tpu.dma_semaphore, #tpu.memory_space<semaphore_mem>>) src(%dma_wait3A_167 : memref<128x128xf32, #tpu.memory_space<vmem>>) dst(%dma_wait3A_173 : memref<10240x128xf32, #tpu.memory_space<vmem_shared>>)
    %barrier3A_174 = arith.constant 0 : index
    tpu.barrier barrier_id(%barrier3A_174)
    %eq3A_175 = arith.constant 0 : i32
    %eq3A_176 = arith.cmpi eq, %arg0, %eq3A_175 : i32
    %convert_element_type3A = arith.extui %eq3A_176 : i1 to i32
    %cond3A = arith.constant 0 : i32
    %cond3A_177 = arith.cmpi ne, %convert_element_type3A, %cond3A : i32
    scf.if %cond3A_177 {
      "tpu.region"() ({
        %run_scoped3A = tpu.sem_alloc : memref<!tpu.dma_semaphore, #tpu.memory_space<semaphore_mem>>
        %dma_start3A_183 = arith.constant 0 : i32
        %dma_start3A_184 = tpu.memref_slice %arg6[%mul3A_0, %dma_start3A_183] : memref<10240x128xf32, #tpu.memory_space<hbm>> -> memref<640x128xf32, #tpu.memory_space<hbm>>
        %dma_start3A_185 = arith.constant 0 : i32
        %dma_start3A_186 = tpu.memref_slice %arg11[%mul3A_0, %dma_start3A_185] : memref<10240x128xf32, #tpu.memory_space<vmem_shared>> -> memref<640x128xf32, #tpu.memory_space<vmem_shared>>
        tpu.enqueue_dma source(%dma_start3A_186 : memref<640x128xf32, #tpu.memory_space<vmem_shared>>) target(%dma_start3A_184 : memref<640x128xf32, #tpu.memory_space<hbm>>) target_semaphore(%run_scoped3A : memref<!tpu.dma_semaphore, #tpu.memory_space<semaphore_mem>>)
        %dma_wait3A_187 = arith.constant 0 : i32
        %dma_wait3A_188 = tpu.memref_slice %arg6[%mul3A_0, %dma_wait3A_187] : memref<10240x128xf32, #tpu.memory_space<hbm>> -> memref<640x128xf32, #tpu.memory_space<hbm>>
        %dma_wait3A_189 = arith.constant 0 : i32
        %dma_wait3A_190 = tpu.memref_slice %arg11[%mul3A_0, %dma_wait3A_189] : memref<10240x128xf32, #tpu.memory_space<vmem_shared>> -> memref<640x128xf32, #tpu.memory_space<vmem_shared>>
        tpu.wait_dma2 semaphore(%run_scoped3A : memref<!tpu.dma_semaphore, #tpu.memory_space<semaphore_mem>>) src(%dma_wait3A_190 : memref<640x128xf32, #tpu.memory_space<vmem_shared>>) dst(%dma_wait3A_188 : memref<640x128xf32, #tpu.memory_space<hbm>>)
        tpu.yield
      }) : () -> ()
    } else {
    }
    %eq3A_178 = arith.constant 1 : i32
    %eq3A_179 = arith.cmpi eq, %arg0, %eq3A_178 : i32
    %convert_element_type3A_180 = arith.extui %eq3A_179 : i1 to i32
    %cond3A_181 = arith.constant 0 : i32
    %cond3A_182 = arith.cmpi ne, %convert_element_type3A_180, %cond3A_181 : i32
    scf.if %cond3A_182 {
      "tpu.region"() ({
        %run_scoped3A = tpu.sem_alloc : memref<!tpu.dma_semaphore, #tpu.memory_space<semaphore_mem>>
        %dma_start3A_183 = arith.constant 0 : i32
        %dma_start3A_184 = tpu.memref_slice %arg7[%mul3A_0, %dma_start3A_183] : memref<10240x128xf32, #tpu.memory_space<hbm>> -> memref<640x128xf32, #tpu.memory_space<hbm>>
        %dma_start3A_185 = arith.constant 0 : i32
        %dma_start3A_186 = tpu.memref_slice %arg11[%mul3A_0, %dma_start3A_185] : memref<10240x128xf32, #tpu.memory_space<vmem_shared>> -> memref<640x128xf32, #tpu.memory_space<vmem_shared>>
        tpu.enqueue_dma source(%dma_start3A_186 : memref<640x128xf32, #tpu.memory_space<vmem_shared>>) target(%dma_start3A_184 : memref<640x128xf32, #tpu.memory_space<hbm>>) target_semaphore(%run_scoped3A : memref<!tpu.dma_semaphore, #tpu.memory_space<semaphore_mem>>)
        %dma_wait3A_187 = arith.constant 0 : i32
        %dma_wait3A_188 = tpu.memref_slice %arg7[%mul3A_0, %dma_wait3A_187] : memref<10240x128xf32, #tpu.memory_space<hbm>> -> memref<640x128xf32, #tpu.memory_space<hbm>>
        %dma_wait3A_189 = arith.constant 0 : i32
        %dma_wait3A_190 = tpu.memref_slice %arg11[%mul3A_0, %dma_wait3A_189] : memref<10240x128xf32, #tpu.memory_space<vmem_shared>> -> memref<640x128xf32, #tpu.memory_space<vmem_shared>>
        tpu.wait_dma2 semaphore(%run_scoped3A : memref<!tpu.dma_semaphore, #tpu.memory_space<semaphore_mem>>) src(%dma_wait3A_190 : memref<640x128xf32, #tpu.memory_space<vmem_shared>>) dst(%dma_wait3A_188 : memref<640x128xf32, #tpu.memory_space<hbm>>)
        tpu.yield
      }) : () -> ()
    } else {
    }
    return
  }
}

#map = affine_map<(d0, d1) -> (0, 0)>
#map1 = affine_map<(d0, d1) -> (0)>
module attributes {stable_mosaic.version = 14 : i64} {
  func.func @body(%arg0: i32, %arg1: i32, %arg2: memref<10240x128xf32, #tpu.memory_space<hbm>>, %arg3: memref<2560x128xi32, #tpu.memory_space<hbm>>, %arg4: memref<2560x128xi32, #tpu.memory_space<hbm>>, %arg5: memref<640x128xf32, #tpu.memory_space<hbm>>, %arg6: memref<640xf32, #tpu.memory_space<hbm>>, %arg7: memref<128xf32, #tpu.memory_space<hbm>>, %arg8: memref<10240x128xf32, #tpu.memory_space<hbm>>, %arg9: memref<10240x128xf32, #tpu.memory_space<hbm>>, %arg10: memref<10240xf32, #tpu.memory_space<hbm>>, %arg11: memref<10240xf32, #tpu.memory_space<hbm>>, %arg12: memref<2x8x128xi32, #tpu.memory_space<vmem>>, %arg13: memref<2x8x128xi32, #tpu.memory_space<vmem>>, %arg14: memref<2x128x128xf32, #tpu.memory_space<vmem>>, %arg15: memref<10240x128xf32, #tpu.memory_space<vmem_shared>>, %arg16: memref<!tpu.dma_semaphore, #tpu.memory_space<semaphore_mem>>, %arg17: memref<!tpu.dma_semaphore, #tpu.memory_space<semaphore_mem>>, %arg18: memref<!tpu.dma_semaphore, #tpu.memory_space<semaphore_mem>>, %arg19: memref<128xf32, #tpu.memory_space<vmem>>, %arg20: memref<10240xf32, #tpu.memory_space<vmem_shared>>, %arg21: memref<!tpu.dma_semaphore, #tpu.memory_space<semaphore_mem>>) attributes {dimension_semantics = [#tpu.dimension_semantics<core_parallel>, #tpu.dimension_semantics<subcore_parallel>], iteration_bounds = array<i64: 2, 16>, scalar_prefetch = 0 : i64, scratch_operands = 10 : i64, tpu.core_type = #tpu.core_type<sc_vector_subcore>, window_params = [{transform_indices = #map}, {transform_indices = #map}, {transform_indices = #map}, {transform_indices = #map}, {transform_indices = #map1}, {transform_indices = #map1}, {transform_indices = #map}, {transform_indices = #map}, {transform_indices = #map1}, {transform_indices = #map1}]} {
    %mul3A = arith.constant 640 : i32
    %mul3A_0 = arith.muli %arg1, %mul3A : i32
    %eq3A = arith.constant 0 : i32
    %eq3A_1 = arith.cmpi eq, %arg0, %eq3A : i32
    %jit3A = arith.constant 80 : i32
    %jit3A_2 = arith.constant 80 : i32
    %select_n3A = arith.select %eq3A_1, %jit3A, %jit3A_2 : i32
    %jit3A_3 = arith.constant 8 : i32
    %div3A = arith.divsi %select_n3A, %jit3A_3 : i32
    %sign3A = arith.constant 0 : i32
    %sign3A_4 = arith.cmpi sgt, %select_n3A, %sign3A : i32
    %sign3A_5 = arith.extui %sign3A_4 : i1 to i32
    %sign3A_6 = arith.constant 0 : i32
    %sign3A_7 = arith.cmpi slt, %select_n3A, %sign3A_6 : i32
    %sign3A_8 = arith.extui %sign3A_7 : i1 to i32
    %sign3A_9 = arith.subi %sign3A_5, %sign3A_8 : i32
    %sign3A_10 = arith.constant 0 : i32
    %sign3A_11 = arith.cmpi sgt, %jit3A_3, %sign3A_10 : i32
    %sign3A_12 = arith.extui %sign3A_11 : i1 to i32
    %sign3A_13 = arith.constant 0 : i32
    %sign3A_14 = arith.cmpi slt, %jit3A_3, %sign3A_13 : i32
    %sign3A_15 = arith.extui %sign3A_14 : i1 to i32
    %sign3A_16 = arith.subi %sign3A_12, %sign3A_15 : i32
    %ne3A = arith.cmpi ne, %sign3A_9, %sign3A_16 : i32
    %rem3A = arith.remsi %select_n3A, %jit3A_3 : i32
    %ne3A_17 = arith.constant 0 : i32
    %ne3A_18 = arith.cmpi ne, %rem3A, %ne3A_17 : i32
    %and3A = arith.andi %ne3A, %ne3A_18 : i1
    %sub3A = arith.constant 1 : i32
    %sub3A_19 = arith.subi %div3A, %sub3A : i32
    %select_n3A_20 = arith.select %and3A, %sub3A_19, %div3A : i32
    %eq3A_21 = arith.constant 0 : i32
    %eq3A_22 = arith.cmpi eq, %arg0, %eq3A_21 : i32
    %mul3A_23 = arith.constant 80 : i32
    %mul3A_24 = arith.muli %arg1, %mul3A_23 : i32
    %mul3A_25 = arith.constant 80 : i32
    %mul3A_26 = arith.muli %arg1, %mul3A_25 : i32
    %add3A = arith.constant 1280 : i32
    %add3A_27 = arith.addi %add3A, %mul3A_26 : i32
    %select_n3A_28 = arith.select %eq3A_22, %mul3A_24, %add3A_27 : i32
    %rem3A_29 = arith.constant 0 : i32
    %rem3A_30 = arith.constant 2 : i32
    %rem3A_31 = arith.remsi %rem3A_29, %rem3A_30 : i32
    %add3A_32 = arith.constant 0 : i32
    %add3A_33 = arith.addi %select_n3A_28, %add3A_32 : i32
    %dma_start3A = arith.constant 0 : i32
    %dma_start3A_34 = arith.constant 0 : i32
    %dma_start3A_35 = tpu.memref_slice %arg12[%rem3A_31, %dma_start3A, %dma_start3A_34] : memref<2x8x128xi32, #tpu.memory_space<vmem>> -> memref<1x8x128xi32, #tpu.memory_space<vmem>>
    %dma_start3A_36 = tpu.memref_squeeze %dma_start3A_35 : memref<1x8x128xi32, #tpu.memory_space<vmem>> -> memref<8x128xi32, #tpu.memory_space<vmem>>
    %dma_start3A_37 = arith.constant 0 : i32
    %dma_start3A_38 = tpu.memref_slice %arg3[%add3A_33, %dma_start3A_37] : memref<2560x128xi32, #tpu.memory_space<hbm>> -> memref<8x128xi32, #tpu.memory_space<hbm>>
    %dma_start3A_39 = arith.constant 0 : i32
    %dma_start3A_40 = arith.constant 0 : i32
    %dma_start3A_41 = tpu.memref_slice %arg12[%rem3A_31, %dma_start3A_39, %dma_start3A_40] : memref<2x8x128xi32, #tpu.memory_space<vmem>> -> memref<1x8x128xi32, #tpu.memory_space<vmem>>
    %dma_start3A_42 = tpu.memref_squeeze %dma_start3A_41 : memref<1x8x128xi32, #tpu.memory_space<vmem>> -> memref<8x128xi32, #tpu.memory_space<vmem>>
    %dma_start3A_43 = arith.constant 0 : i32
    %dma_start3A_44 = tpu.memref_slice %arg3[%add3A_33, %dma_start3A_43] : memref<2560x128xi32, #tpu.memory_space<hbm>> -> memref<8x128xi32, #tpu.memory_space<hbm>>
    tpu.enqueue_dma source(%dma_start3A_44 : memref<8x128xi32, #tpu.memory_space<hbm>>) target(%dma_start3A_42 : memref<8x128xi32, #tpu.memory_space<vmem>>) target_semaphore(%arg18 : memref<!tpu.dma_semaphore, #tpu.memory_space<semaphore_mem>>)
    %dma_start3A_45 = arith.constant 0 : i32
    %dma_start3A_46 = arith.constant 0 : i32
    %dma_start3A_47 = tpu.memref_slice %arg13[%rem3A_31, %dma_start3A_45, %dma_start3A_46] : memref<2x8x128xi32, #tpu.memory_space<vmem>> -> memref<1x8x128xi32, #tpu.memory_space<vmem>>
    %dma_start3A_48 = tpu.memref_squeeze %dma_start3A_47 : memref<1x8x128xi32, #tpu.memory_space<vmem>> -> memref<8x128xi32, #tpu.memory_space<vmem>>
    %dma_start3A_49 = arith.constant 0 : i32
    %dma_start3A_50 = tpu.memref_slice %arg4[%add3A_33, %dma_start3A_49] : memref<2560x128xi32, #tpu.memory_space<hbm>> -> memref<8x128xi32, #tpu.memory_space<hbm>>
    %dma_start3A_51 = arith.constant 0 : i32
    %dma_start3A_52 = arith.constant 0 : i32
    %dma_start3A_53 = tpu.memref_slice %arg13[%rem3A_31, %dma_start3A_51, %dma_start3A_52] : memref<2x8x128xi32, #tpu.memory_space<vmem>> -> memref<1x8x128xi32, #tpu.memory_space<vmem>>
    %dma_start3A_54 = tpu.memref_squeeze %dma_start3A_53 : memref<1x8x128xi32, #tpu.memory_space<vmem>> -> memref<8x128xi32, #tpu.memory_space<vmem>>
    %dma_start3A_55 = arith.constant 0 : i32
    %dma_start3A_56 = tpu.memref_slice %arg4[%add3A_33, %dma_start3A_55] : memref<2560x128xi32, #tpu.memory_space<hbm>> -> memref<8x128xi32, #tpu.memory_space<hbm>>
    tpu.enqueue_dma source(%dma_start3A_56 : memref<8x128xi32, #tpu.memory_space<hbm>>) target(%dma_start3A_54 : memref<8x128xi32, #tpu.memory_space<vmem>>) target_semaphore(%arg18 : memref<!tpu.dma_semaphore, #tpu.memory_space<semaphore_mem>>)
    "tpu.region"() ({
      %run_scoped3A = tpu.sem_alloc : memref<!tpu.dma_semaphore, #tpu.memory_space<semaphore_mem>>
      %dma_start3A_196 = arith.constant 0 : i32
      %dma_start3A_197 = tpu.memref_slice %arg15[%mul3A_0, %dma_start3A_196] : memref<10240x128xf32, #tpu.memory_space<vmem_shared>> -> memref<640x128xf32, #tpu.memory_space<vmem_shared>>
      tpu.enqueue_dma source(%arg5 : memref<640x128xf32, #tpu.memory_space<hbm>>) target(%dma_start3A_197 : memref<640x128xf32, #tpu.memory_space<vmem_shared>>) target_semaphore(%run_scoped3A : memref<!tpu.dma_semaphore, #tpu.memory_space<semaphore_mem>>)
      %dma_wait3A_198 = arith.constant 0 : i32
      %dma_wait3A_199 = tpu.memref_slice %arg15[%mul3A_0, %dma_wait3A_198] : memref<10240x128xf32, #tpu.memory_space<vmem_shared>> -> memref<640x128xf32, #tpu.memory_space<vmem_shared>>
      tpu.wait_dma2 semaphore(%run_scoped3A : memref<!tpu.dma_semaphore, #tpu.memory_space<semaphore_mem>>) src(%arg5 : memref<640x128xf32, #tpu.memory_space<hbm>>) dst(%dma_wait3A_199 : memref<640x128xf32, #tpu.memory_space<vmem_shared>>)
      tpu.yield
    }) : () -> ()
    "tpu.region"() ({
      %run_scoped3A = tpu.sem_alloc : memref<!tpu.dma_semaphore, #tpu.memory_space<semaphore_mem>>
      %dma_start3A_196 = tpu.memref_slice %arg20[%mul3A_0] : memref<10240xf32, #tpu.memory_space<vmem_shared>> -> memref<640xf32, #tpu.memory_space<vmem_shared>>
      tpu.enqueue_dma source(%arg6 : memref<640xf32, #tpu.memory_space<hbm>>) target(%dma_start3A_196 : memref<640xf32, #tpu.memory_space<vmem_shared>>) target_semaphore(%run_scoped3A : memref<!tpu.dma_semaphore, #tpu.memory_space<semaphore_mem>>)
      %dma_wait3A_197 = tpu.memref_slice %arg20[%mul3A_0] : memref<10240xf32, #tpu.memory_space<vmem_shared>> -> memref<640xf32, #tpu.memory_space<vmem_shared>>
      tpu.wait_dma2 semaphore(%run_scoped3A : memref<!tpu.dma_semaphore, #tpu.memory_space<semaphore_mem>>) src(%arg6 : memref<640xf32, #tpu.memory_space<hbm>>) dst(%dma_wait3A_197 : memref<640xf32, #tpu.memory_space<vmem_shared>>)
      tpu.yield
    }) : () -> ()
    "tpu.region"() ({
      %run_scoped3A = tpu.sem_alloc : memref<!tpu.dma_semaphore, #tpu.memory_space<semaphore_mem>>
      tpu.enqueue_dma source(%arg7 : memref<128xf32, #tpu.memory_space<hbm>>) target(%arg19 : memref<128xf32, #tpu.memory_space<vmem>>) target_semaphore(%run_scoped3A : memref<!tpu.dma_semaphore, #tpu.memory_space<semaphore_mem>>)
      tpu.wait_dma2 semaphore(%run_scoped3A : memref<!tpu.dma_semaphore, #tpu.memory_space<semaphore_mem>>) src(%arg7 : memref<128xf32, #tpu.memory_space<hbm>>) dst(%arg19 : memref<128xf32, #tpu.memory_space<vmem>>)
      tpu.yield
    }) : () -> ()
    %barrier3A = arith.constant 0 : index
    tpu.barrier barrier_id(%barrier3A)
    %rem3A_57 = arith.constant 0 : i32
    %rem3A_58 = arith.constant 2 : i32
    %rem3A_59 = arith.remsi %rem3A_57, %rem3A_58 : i32
    %add3A_60 = arith.constant 0 : i32
    %add3A_61 = arith.addi %select_n3A_28, %add3A_60 : i32
    %dma_wait3A = arith.constant 0 : i32
    %dma_wait3A_62 = arith.constant 0 : i32
    %dma_wait3A_63 = tpu.memref_slice %arg12[%rem3A_59, %dma_wait3A, %dma_wait3A_62] : memref<2x8x128xi32, #tpu.memory_space<vmem>> -> memref<1x8x128xi32, #tpu.memory_space<vmem>>
    %dma_wait3A_64 = tpu.memref_squeeze %dma_wait3A_63 : memref<1x8x128xi32, #tpu.memory_space<vmem>> -> memref<8x128xi32, #tpu.memory_space<vmem>>
    %dma_wait3A_65 = arith.constant 0 : i32
    %dma_wait3A_66 = tpu.memref_slice %arg3[%add3A_61, %dma_wait3A_65] : memref<2560x128xi32, #tpu.memory_space<hbm>> -> memref<8x128xi32, #tpu.memory_space<hbm>>
    %dma_wait3A_67 = arith.constant 0 : i32
    %dma_wait3A_68 = arith.constant 0 : i32
    %dma_wait3A_69 = tpu.memref_slice %arg12[%rem3A_59, %dma_wait3A_67, %dma_wait3A_68] : memref<2x8x128xi32, #tpu.memory_space<vmem>> -> memref<1x8x128xi32, #tpu.memory_space<vmem>>
    %dma_wait3A_70 = tpu.memref_squeeze %dma_wait3A_69 : memref<1x8x128xi32, #tpu.memory_space<vmem>> -> memref<8x128xi32, #tpu.memory_space<vmem>>
    %dma_wait3A_71 = arith.constant 0 : i32
    %dma_wait3A_72 = tpu.memref_slice %arg3[%add3A_61, %dma_wait3A_71] : memref<2560x128xi32, #tpu.memory_space<hbm>> -> memref<8x128xi32, #tpu.memory_space<hbm>>
    tpu.wait_dma2 semaphore(%arg18 : memref<!tpu.dma_semaphore, #tpu.memory_space<semaphore_mem>>) src(%dma_wait3A_72 : memref<8x128xi32, #tpu.memory_space<hbm>>) dst(%dma_wait3A_70 : memref<8x128xi32, #tpu.memory_space<vmem>>)
    %dma_wait3A_73 = arith.constant 0 : i32
    %dma_wait3A_74 = arith.constant 0 : i32
    %dma_wait3A_75 = tpu.memref_slice %arg13[%rem3A_59, %dma_wait3A_73, %dma_wait3A_74] : memref<2x8x128xi32, #tpu.memory_space<vmem>> -> memref<1x8x128xi32, #tpu.memory_space<vmem>>
    %dma_wait3A_76 = tpu.memref_squeeze %dma_wait3A_75 : memref<1x8x128xi32, #tpu.memory_space<vmem>> -> memref<8x128xi32, #tpu.memory_space<vmem>>
    %dma_wait3A_77 = arith.constant 0 : i32
    %dma_wait3A_78 = tpu.memref_slice %arg4[%add3A_61, %dma_wait3A_77] : memref<2560x128xi32, #tpu.memory_space<hbm>> -> memref<8x128xi32, #tpu.memory_space<hbm>>
    %dma_wait3A_79 = arith.constant 0 : i32
    %dma_wait3A_80 = arith.constant 0 : i32
    %dma_wait3A_81 = tpu.memref_slice %arg13[%rem3A_59, %dma_wait3A_79, %dma_wait3A_80] : memref<2x8x128xi32, #tpu.memory_space<vmem>> -> memref<1x8x128xi32, #tpu.memory_space<vmem>>
    %dma_wait3A_82 = tpu.memref_squeeze %dma_wait3A_81 : memref<1x8x128xi32, #tpu.memory_space<vmem>> -> memref<8x128xi32, #tpu.memory_space<vmem>>
    %dma_wait3A_83 = arith.constant 0 : i32
    %dma_wait3A_84 = tpu.memref_slice %arg4[%add3A_61, %dma_wait3A_83] : memref<2560x128xi32, #tpu.memory_space<hbm>> -> memref<8x128xi32, #tpu.memory_space<hbm>>
    tpu.wait_dma2 semaphore(%arg18 : memref<!tpu.dma_semaphore, #tpu.memory_space<semaphore_mem>>) src(%dma_wait3A_84 : memref<8x128xi32, #tpu.memory_space<hbm>>) dst(%dma_wait3A_82 : memref<8x128xi32, #tpu.memory_space<vmem>>)
    %while3A = arith.constant 0 : i32
    %while3A_85 = arith.constant 0 : i32
    %while3A_86 = arith.subi %select_n3A, %while3A_85 : i32
    %while3A_87 = arith.addi %while3A_85, %while3A_86 : i32
    %while3A_88 = arith.constant 1 : i32
    %while3A_89 = arith.divsi %while3A_86, %while3A_88 : i32
    %while3A_90 = arith.muli %while3A_89, %while3A_88 : i32
    %while3A_91 = arith.addi %while3A_85, %while3A_90 : i32
    %while3A_92 = arith.constant 1 : i32
    scf.for %while3A_196 = %while3A_85 to %while3A_91 step %while3A_92  : i32 {
      %div3A_197 = arith.constant 8 : i32
      %div3A_198 = arith.divsi %while3A_196, %div3A_197 : i32
      %rem3A_199 = arith.constant 8 : i32
      %rem3A_200 = arith.remsi %while3A_196, %rem3A_199 : i32
      %eq3A_201 = arith.constant 0 : i32
      %eq3A_202 = arith.cmpi eq, %rem3A_200, %eq3A_201 : i32
      %gt3A = arith.constant 0 : i32
      %gt3A_203 = arith.cmpi sgt, %div3A_198, %gt3A : i32
      %and3A_204 = arith.andi %eq3A_202, %gt3A_203 : i1
      %convert_element_type3A_205 = arith.extui %and3A_204 : i1 to i32
      %cond3A_206 = arith.constant 0 : i32
      %cond3A_207 = arith.cmpi ne, %convert_element_type3A_205, %cond3A_206 : i32
      scf.if %cond3A_207 {
        %rem3A_254 = arith.constant 2 : i32
        %rem3A_255 = arith.remsi %div3A_198, %rem3A_254 : i32
        %mul3A_256 = arith.constant 8 : i32
        %mul3A_257 = arith.muli %div3A_198, %mul3A_256 : i32
        %add3A_258 = arith.addi %select_n3A_28, %mul3A_257 : i32
        %dma_wait3A_259 = arith.constant 0 : i32
        %dma_wait3A_260 = arith.constant 0 : i32
        %dma_wait3A_261 = tpu.memref_slice %arg12[%rem3A_255, %dma_wait3A_259, %dma_wait3A_260] : memref<2x8x128xi32, #tpu.memory_space<vmem>> -> memref<1x8x128xi32, #tpu.memory_space<vmem>>
        %dma_wait3A_262 = tpu.memref_squeeze %dma_wait3A_261 : memref<1x8x128xi32, #tpu.memory_space<vmem>> -> memref<8x128xi32, #tpu.memory_space<vmem>>
        %dma_wait3A_263 = arith.constant 0 : i32
        %dma_wait3A_264 = tpu.memref_slice %arg3[%add3A_258, %dma_wait3A_263] : memref<2560x128xi32, #tpu.memory_space<hbm>> -> memref<8x128xi32, #tpu.memory_space<hbm>>
        %dma_wait3A_265 = arith.constant 0 : i32
        %dma_wait3A_266 = arith.constant 0 : i32
        %dma_wait3A_267 = tpu.memref_slice %arg12[%rem3A_255, %dma_wait3A_265, %dma_wait3A_266] : memref<2x8x128xi32, #tpu.memory_space<vmem>> -> memref<1x8x128xi32, #tpu.memory_space<vmem>>
        %dma_wait3A_268 = tpu.memref_squeeze %dma_wait3A_267 : memref<1x8x128xi32, #tpu.memory_space<vmem>> -> memref<8x128xi32, #tpu.memory_space<vmem>>
        %dma_wait3A_269 = arith.constant 0 : i32
        %dma_wait3A_270 = tpu.memref_slice %arg3[%add3A_258, %dma_wait3A_269] : memref<2560x128xi32, #tpu.memory_space<hbm>> -> memref<8x128xi32, #tpu.memory_space<hbm>>
        tpu.wait_dma2 semaphore(%arg18 : memref<!tpu.dma_semaphore, #tpu.memory_space<semaphore_mem>>) src(%dma_wait3A_270 : memref<8x128xi32, #tpu.memory_space<hbm>>) dst(%dma_wait3A_268 : memref<8x128xi32, #tpu.memory_space<vmem>>)
        %dma_wait3A_271 = arith.constant 0 : i32
        %dma_wait3A_272 = arith.constant 0 : i32
        %dma_wait3A_273 = tpu.memref_slice %arg13[%rem3A_255, %dma_wait3A_271, %dma_wait3A_272] : memref<2x8x128xi32, #tpu.memory_space<vmem>> -> memref<1x8x128xi32, #tpu.memory_space<vmem>>
        %dma_wait3A_274 = tpu.memref_squeeze %dma_wait3A_273 : memref<1x8x128xi32, #tpu.memory_space<vmem>> -> memref<8x128xi32, #tpu.memory_space<vmem>>
        %dma_wait3A_275 = arith.constant 0 : i32
        %dma_wait3A_276 = tpu.memref_slice %arg4[%add3A_258, %dma_wait3A_275] : memref<2560x128xi32, #tpu.memory_space<hbm>> -> memref<8x128xi32, #tpu.memory_space<hbm>>
        %dma_wait3A_277 = arith.constant 0 : i32
        %dma_wait3A_278 = arith.constant 0 : i32
        %dma_wait3A_279 = tpu.memref_slice %arg13[%rem3A_255, %dma_wait3A_277, %dma_wait3A_278] : memref<2x8x128xi32, #tpu.memory_space<vmem>> -> memref<1x8x128xi32, #tpu.memory_space<vmem>>
        %dma_wait3A_280 = tpu.memref_squeeze %dma_wait3A_279 : memref<1x8x128xi32, #tpu.memory_space<vmem>> -> memref<8x128xi32, #tpu.memory_space<vmem>>
        %dma_wait3A_281 = arith.constant 0 : i32
        %dma_wait3A_282 = tpu.memref_slice %arg4[%add3A_258, %dma_wait3A_281] : memref<2560x128xi32, #tpu.memory_space<hbm>> -> memref<8x128xi32, #tpu.memory_space<hbm>>
        tpu.wait_dma2 semaphore(%arg18 : memref<!tpu.dma_semaphore, #tpu.memory_space<semaphore_mem>>) src(%dma_wait3A_282 : memref<8x128xi32, #tpu.memory_space<hbm>>) dst(%dma_wait3A_280 : memref<8x128xi32, #tpu.memory_space<vmem>>)
      } else {
      }
      %ge3A = arith.constant 2 : i32
      %ge3A_208 = arith.cmpi sge, %while3A_196, %ge3A : i32
      %convert_element_type3A_209 = arith.extui %ge3A_208 : i1 to i32
      %cond3A_210 = arith.constant 0 : i32
      %cond3A_211 = arith.cmpi ne, %convert_element_type3A_209, %cond3A_210 : i32
      scf.if %cond3A_211 {
        %sub3A_254 = arith.constant 2 : i32
        %sub3A_255 = arith.subi %while3A_196, %sub3A_254 : i32
        %div3A_256 = arith.constant 8 : i32
        %div3A_257 = arith.divsi %sub3A_255, %div3A_256 : i32
        %rem3A_258 = arith.constant 2 : i32
        %rem3A_259 = arith.remsi %div3A_257, %rem3A_258 : i32
        %rem3A_260 = arith.constant 8 : i32
        %rem3A_261 = arith.remsi %sub3A_255, %rem3A_260 : i32
        %rem3A_262 = arith.constant 2 : i32
        %rem3A_263 = arith.remsi %sub3A_255, %rem3A_262 : i32
        %dma_wait3A_264 = arith.constant 0 : i32
        %dma_wait3A_265 = arith.constant 0 : i32
        %dma_wait3A_266 = tpu.memref_slice %arg14[%rem3A_263, %dma_wait3A_264, %dma_wait3A_265] : memref<2x128x128xf32, #tpu.memory_space<vmem>> -> memref<1x128x128xf32, #tpu.memory_space<vmem>>
        %dma_wait3A_267 = tpu.memref_squeeze %dma_wait3A_266 : memref<1x128x128xf32, #tpu.memory_space<vmem>> -> memref<128x128xf32, #tpu.memory_space<vmem>>
        %dma_wait3A_268 = arith.constant 0 : i32
        %dma_wait3A_269 = tpu.memref_slice %arg13[%rem3A_259, %rem3A_261, %dma_wait3A_268] : memref<2x8x128xi32, #tpu.memory_space<vmem>> -> memref<1x1x128xi32, #tpu.memory_space<vmem>>
        %dma_wait3A_270 = tpu.memref_squeeze %dma_wait3A_269 : memref<1x1x128xi32, #tpu.memory_space<vmem>> -> memref<128xi32, #tpu.memory_space<vmem>>
        %dma_wait3A_271 = arith.constant 0 : i32
        %dma_wait3A_272 = arith.constant 0 : i32
        %dma_wait3A_273 = tpu.memref_slice %arg15[%dma_wait3A_271, %dma_wait3A_272] : memref<10240x128xf32, #tpu.memory_space<vmem_shared>> -> memref<10240x128xf32, #tpu.memory_space<vmem_shared>>
        tpu.wait_indirect_dma semaphore(%arg17 : memref<!tpu.dma_semaphore, #tpu.memory_space<semaphore_mem>>) src(%dma_wait3A_267 : memref<128x128xf32, #tpu.memory_space<vmem>>) dst(%dma_wait3A_273 : memref<10240x128xf32, #tpu.memory_space<vmem_shared>>)
      } else {
      }
      %div3A_212 = arith.constant 8 : i32
      %div3A_213 = arith.divsi %while3A_196, %div3A_212 : i32
      %rem3A_214 = arith.constant 2 : i32
      %rem3A_215 = arith.remsi %div3A_213, %rem3A_214 : i32
      %rem3A_216 = arith.constant 8 : i32
      %rem3A_217 = arith.remsi %while3A_196, %rem3A_216 : i32
      %rem3A_218 = arith.constant 2 : i32
      %rem3A_219 = arith.remsi %while3A_196, %rem3A_218 : i32
      %dma_start3A_220 = arith.constant 0 : i32
      %dma_start3A_221 = arith.constant 0 : i32
      %dma_start3A_222 = tpu.memref_slice %arg14[%rem3A_219, %dma_start3A_220, %dma_start3A_221] : memref<2x128x128xf32, #tpu.memory_space<vmem>> -> memref<1x128x128xf32, #tpu.memory_space<vmem>>
      %dma_start3A_223 = tpu.memref_squeeze %dma_start3A_222 : memref<1x128x128xf32, #tpu.memory_space<vmem>> -> memref<128x128xf32, #tpu.memory_space<vmem>>
      %dma_start3A_224 = arith.constant 0 : i32
      %dma_start3A_225 = tpu.memref_slice %arg12[%rem3A_215, %rem3A_217, %dma_start3A_224] : memref<2x8x128xi32, #tpu.memory_space<vmem>> -> memref<1x1x128xi32, #tpu.memory_space<vmem>>
      %dma_start3A_226 = tpu.memref_squeeze %dma_start3A_225 : memref<1x1x128xi32, #tpu.memory_space<vmem>> -> memref<128xi32, #tpu.memory_space<vmem>>
      %dma_start3A_227 = arith.constant 0 : i32
      %dma_start3A_228 = arith.constant 0 : i32
      %dma_start3A_229 = tpu.memref_slice %arg2[%dma_start3A_227, %dma_start3A_228] : memref<10240x128xf32, #tpu.memory_space<hbm>> -> memref<10240x128xf32, #tpu.memory_space<hbm>>
      tpu.enqueue_indirect_dma source(%dma_start3A_229 : memref<10240x128xf32, #tpu.memory_space<hbm>>) target(%dma_start3A_223 : memref<128x128xf32, #tpu.memory_space<vmem>>) offsets(%dma_start3A_226 : memref<128xi32, #tpu.memory_space<vmem>>) semaphore(%arg16 : memref<!tpu.dma_semaphore, #tpu.memory_space<semaphore_mem>>)
      %div3A_230 = arith.constant 8 : i32
      %div3A_231 = arith.divsi %while3A_196, %div3A_230 : i32
      %rem3A_232 = arith.constant 2 : i32
      %rem3A_233 = arith.remsi %div3A_231, %rem3A_232 : i32
      %rem3A_234 = arith.constant 8 : i32
      %rem3A_235 = arith.remsi %while3A_196, %rem3A_234 : i32
      %dma_start3A_236 = arith.constant 0 : i32
      %dma_start3A_237 = tpu.memref_slice %arg13[%rem3A_233, %rem3A_235, %dma_start3A_236] : memref<2x8x128xi32, #tpu.memory_space<vmem>> -> memref<1x1x128xi32, #tpu.memory_space<vmem>>
      %dma_start3A_238 = tpu.memref_squeeze %dma_start3A_237 : memref<1x1x128xi32, #tpu.memory_space<vmem>> -> memref<128xi32, #tpu.memory_space<vmem>>
      %dma_start3A_239 = arith.constant 0 : i32
      %dma_start3A_240 = tpu.memref_slice %arg20[%dma_start3A_239] : memref<10240xf32, #tpu.memory_space<vmem_shared>> -> memref<10240xf32, #tpu.memory_space<vmem_shared>>
      tpu.enqueue_indirect_dma source(%arg19 : memref<128xf32, #tpu.memory_space<vmem>>) target(%dma_start3A_240 : memref<10240xf32, #tpu.memory_space<vmem_shared>>) offsets(%dma_start3A_238 : memref<128xi32, #tpu.memory_space<vmem>>) semaphore(%arg21 : memref<!tpu.dma_semaphore, #tpu.memory_space<semaphore_mem>>) {add = true}
      %ge3A_241 = arith.constant 1 : i32
      %ge3A_242 = arith.cmpi sge, %while3A_196, %ge3A_241 : i32
      %convert_element_type3A_243 = arith.extui %ge3A_242 : i1 to i32
      %cond3A_244 = arith.constant 0 : i32
      %cond3A_245 = arith.cmpi ne, %convert_element_type3A_243, %cond3A_244 : i32
      scf.if %cond3A_245 {
        %sub3A_254 = arith.constant 1 : i32
        %sub3A_255 = arith.subi %while3A_196, %sub3A_254 : i32
        %div3A_256 = arith.constant 8 : i32
        %div3A_257 = arith.divsi %sub3A_255, %div3A_256 : i32
        %rem3A_258 = arith.constant 2 : i32
        %rem3A_259 = arith.remsi %div3A_257, %rem3A_258 : i32
        %rem3A_260 = arith.constant 8 : i32
        %rem3A_261 = arith.remsi %sub3A_255, %rem3A_260 : i32
        %rem3A_262 = arith.constant 2 : i32
        %rem3A_263 = arith.remsi %sub3A_255, %rem3A_262 : i32
        %dma_wait3A_264 = arith.constant 0 : i32
        %dma_wait3A_265 = arith.constant 0 : i32
        %dma_wait3A_266 = tpu.memref_slice %arg14[%rem3A_263, %dma_wait3A_264, %dma_wait3A_265] : memref<2x128x128xf32, #tpu.memory_space<vmem>> -> memref<1x128x128xf32, #tpu.memory_space<vmem>>
        %dma_wait3A_267 = tpu.memref_squeeze %dma_wait3A_266 : memref<1x128x128xf32, #tpu.memory_space<vmem>> -> memref<128x128xf32, #tpu.memory_space<vmem>>
        %dma_wait3A_268 = arith.constant 0 : i32
        %dma_wait3A_269 = tpu.memref_slice %arg12[%rem3A_259, %rem3A_261, %dma_wait3A_268] : memref<2x8x128xi32, #tpu.memory_space<vmem>> -> memref<1x1x128xi32, #tpu.memory_space<vmem>>
        %dma_wait3A_270 = tpu.memref_squeeze %dma_wait3A_269 : memref<1x1x128xi32, #tpu.memory_space<vmem>> -> memref<128xi32, #tpu.memory_space<vmem>>
        %dma_wait3A_271 = arith.constant 0 : i32
        %dma_wait3A_272 = arith.constant 0 : i32
        %dma_wait3A_273 = tpu.memref_slice %arg2[%dma_wait3A_271, %dma_wait3A_272] : memref<10240x128xf32, #tpu.memory_space<hbm>> -> memref<10240x128xf32, #tpu.memory_space<hbm>>
        tpu.wait_indirect_dma semaphore(%arg16 : memref<!tpu.dma_semaphore, #tpu.memory_space<semaphore_mem>>) src(%dma_wait3A_273 : memref<10240x128xf32, #tpu.memory_space<hbm>>) dst(%dma_wait3A_267 : memref<128x128xf32, #tpu.memory_space<vmem>>)
        %sub3A_274 = arith.constant 1 : i32
        %sub3A_275 = arith.subi %while3A_196, %sub3A_274 : i32
        %div3A_276 = arith.constant 8 : i32
        %div3A_277 = arith.divsi %sub3A_275, %div3A_276 : i32
        %rem3A_278 = arith.constant 2 : i32
        %rem3A_279 = arith.remsi %div3A_277, %rem3A_278 : i32
        %rem3A_280 = arith.constant 8 : i32
        %rem3A_281 = arith.remsi %sub3A_275, %rem3A_280 : i32
        %rem3A_282 = arith.constant 2 : i32
        %rem3A_283 = arith.remsi %sub3A_275, %rem3A_282 : i32
        %dma_start3A_284 = arith.constant 0 : i32
        %dma_start3A_285 = arith.constant 0 : i32
        %dma_start3A_286 = tpu.memref_slice %arg14[%rem3A_283, %dma_start3A_284, %dma_start3A_285] : memref<2x128x128xf32, #tpu.memory_space<vmem>> -> memref<1x128x128xf32, #tpu.memory_space<vmem>>
        %dma_start3A_287 = tpu.memref_squeeze %dma_start3A_286 : memref<1x128x128xf32, #tpu.memory_space<vmem>> -> memref<128x128xf32, #tpu.memory_space<vmem>>
        %dma_start3A_288 = arith.constant 0 : i32
        %dma_start3A_289 = tpu.memref_slice %arg13[%rem3A_279, %rem3A_281, %dma_start3A_288] : memref<2x8x128xi32, #tpu.memory_space<vmem>> -> memref<1x1x128xi32, #tpu.memory_space<vmem>>
        %dma_start3A_290 = tpu.memref_squeeze %dma_start3A_289 : memref<1x1x128xi32, #tpu.memory_space<vmem>> -> memref<128xi32, #tpu.memory_space<vmem>>
        %dma_start3A_291 = arith.constant 0 : i32
        %dma_start3A_292 = arith.constant 0 : i32
        %dma_start3A_293 = tpu.memref_slice %arg15[%dma_start3A_291, %dma_start3A_292] : memref<10240x128xf32, #tpu.memory_space<vmem_shared>> -> memref<10240x128xf32, #tpu.memory_space<vmem_shared>>
        tpu.enqueue_indirect_dma source(%dma_start3A_287 : memref<128x128xf32, #tpu.memory_space<vmem>>) target(%dma_start3A_293 : memref<10240x128xf32, #tpu.memory_space<vmem_shared>>) offsets(%dma_start3A_290 : memref<128xi32, #tpu.memory_space<vmem>>) semaphore(%arg17 : memref<!tpu.dma_semaphore, #tpu.memory_space<semaphore_mem>>) {add = true}
        %sub3A_294 = arith.constant 1 : i32
        %sub3A_295 = arith.subi %while3A_196, %sub3A_294 : i32
        %div3A_296 = arith.constant 8 : i32
        %div3A_297 = arith.divsi %sub3A_295, %div3A_296 : i32
        %rem3A_298 = arith.constant 2 : i32
        %rem3A_299 = arith.remsi %div3A_297, %rem3A_298 : i32
        %rem3A_300 = arith.constant 8 : i32
        %rem3A_301 = arith.remsi %sub3A_295, %rem3A_300 : i32
        %dma_wait3A_302 = arith.constant 0 : i32
        %dma_wait3A_303 = tpu.memref_slice %arg13[%rem3A_299, %rem3A_301, %dma_wait3A_302] : memref<2x8x128xi32, #tpu.memory_space<vmem>> -> memref<1x1x128xi32, #tpu.memory_space<vmem>>
        %dma_wait3A_304 = tpu.memref_squeeze %dma_wait3A_303 : memref<1x1x128xi32, #tpu.memory_space<vmem>> -> memref<128xi32, #tpu.memory_space<vmem>>
        %dma_wait3A_305 = arith.constant 0 : i32
        %dma_wait3A_306 = tpu.memref_slice %arg20[%dma_wait3A_305] : memref<10240xf32, #tpu.memory_space<vmem_shared>> -> memref<10240xf32, #tpu.memory_space<vmem_shared>>
        tpu.wait_indirect_dma semaphore(%arg21 : memref<!tpu.dma_semaphore, #tpu.memory_space<semaphore_mem>>) src(%arg19 : memref<128xf32, #tpu.memory_space<vmem>>) dst(%dma_wait3A_306 : memref<10240xf32, #tpu.memory_space<vmem_shared>>)
      } else {
      }
      %eq3A_246 = arith.constant 0 : i32
      %eq3A_247 = arith.cmpi eq, %rem3A_200, %eq3A_246 : i32
      %add3A_248 = arith.constant 1 : i32
      %add3A_249 = arith.addi %div3A_198, %add3A_248 : i32
      %lt3A = arith.cmpi slt, %add3A_249, %select_n3A_20 : i32
      %and3A_250 = arith.andi %eq3A_247, %lt3A : i1
      %convert_element_type3A_251 = arith.extui %and3A_250 : i1 to i32
      %cond3A_252 = arith.constant 0 : i32
      %cond3A_253 = arith.cmpi ne, %convert_element_type3A_251, %cond3A_252 : i32
      scf.if %cond3A_253 {
        %add3A_254 = arith.constant 1 : i32
        %add3A_255 = arith.addi %div3A_198, %add3A_254 : i32
        %rem3A_256 = arith.constant 2 : i32
        %rem3A_257 = arith.remsi %add3A_255, %rem3A_256 : i32
        %mul3A_258 = arith.constant 8 : i32
        %mul3A_259 = arith.muli %add3A_255, %mul3A_258 : i32
        %add3A_260 = arith.addi %select_n3A_28, %mul3A_259 : i32
        %dma_start3A_261 = arith.constant 0 : i32
        %dma_start3A_262 = arith.constant 0 : i32
        %dma_start3A_263 = tpu.memref_slice %arg12[%rem3A_257, %dma_start3A_261, %dma_start3A_262] : memref<2x8x128xi32, #tpu.memory_space<vmem>> -> memref<1x8x128xi32, #tpu.memory_space<vmem>>
        %dma_start3A_264 = tpu.memref_squeeze %dma_start3A_263 : memref<1x8x128xi32, #tpu.memory_space<vmem>> -> memref<8x128xi32, #tpu.memory_space<vmem>>
        %dma_start3A_265 = arith.constant 0 : i32
        %dma_start3A_266 = tpu.memref_slice %arg3[%add3A_260, %dma_start3A_265] : memref<2560x128xi32, #tpu.memory_space<hbm>> -> memref<8x128xi32, #tpu.memory_space<hbm>>
        %dma_start3A_267 = arith.constant 0 : i32
        %dma_start3A_268 = arith.constant 0 : i32
        %dma_start3A_269 = tpu.memref_slice %arg12[%rem3A_257, %dma_start3A_267, %dma_start3A_268] : memref<2x8x128xi32, #tpu.memory_space<vmem>> -> memref<1x8x128xi32, #tpu.memory_space<vmem>>
        %dma_start3A_270 = tpu.memref_squeeze %dma_start3A_269 : memref<1x8x128xi32, #tpu.memory_space<vmem>> -> memref<8x128xi32, #tpu.memory_space<vmem>>
        %dma_start3A_271 = arith.constant 0 : i32
        %dma_start3A_272 = tpu.memref_slice %arg3[%add3A_260, %dma_start3A_271] : memref<2560x128xi32, #tpu.memory_space<hbm>> -> memref<8x128xi32, #tpu.memory_space<hbm>>
        tpu.enqueue_dma source(%dma_start3A_272 : memref<8x128xi32, #tpu.memory_space<hbm>>) target(%dma_start3A_270 : memref<8x128xi32, #tpu.memory_space<vmem>>) target_semaphore(%arg18 : memref<!tpu.dma_semaphore, #tpu.memory_space<semaphore_mem>>)
        %dma_start3A_273 = arith.constant 0 : i32
        %dma_start3A_274 = arith.constant 0 : i32
        %dma_start3A_275 = tpu.memref_slice %arg13[%rem3A_257, %dma_start3A_273, %dma_start3A_274] : memref<2x8x128xi32, #tpu.memory_space<vmem>> -> memref<1x8x128xi32, #tpu.memory_space<vmem>>
        %dma_start3A_276 = tpu.memref_squeeze %dma_start3A_275 : memref<1x8x128xi32, #tpu.memory_space<vmem>> -> memref<8x128xi32, #tpu.memory_space<vmem>>
        %dma_start3A_277 = arith.constant 0 : i32
        %dma_start3A_278 = tpu.memref_slice %arg4[%add3A_260, %dma_start3A_277] : memref<2560x128xi32, #tpu.memory_space<hbm>> -> memref<8x128xi32, #tpu.memory_space<hbm>>
        %dma_start3A_279 = arith.constant 0 : i32
        %dma_start3A_280 = arith.constant 0 : i32
        %dma_start3A_281 = tpu.memref_slice %arg13[%rem3A_257, %dma_start3A_279, %dma_start3A_280] : memref<2x8x128xi32, #tpu.memory_space<vmem>> -> memref<1x8x128xi32, #tpu.memory_space<vmem>>
        %dma_start3A_282 = tpu.memref_squeeze %dma_start3A_281 : memref<1x8x128xi32, #tpu.memory_space<vmem>> -> memref<8x128xi32, #tpu.memory_space<vmem>>
        %dma_start3A_283 = arith.constant 0 : i32
        %dma_start3A_284 = tpu.memref_slice %arg4[%add3A_260, %dma_start3A_283] : memref<2560x128xi32, #tpu.memory_space<hbm>> -> memref<8x128xi32, #tpu.memory_space<hbm>>
        tpu.enqueue_dma source(%dma_start3A_284 : memref<8x128xi32, #tpu.memory_space<hbm>>) target(%dma_start3A_282 : memref<8x128xi32, #tpu.memory_space<vmem>>) target_semaphore(%arg18 : memref<!tpu.dma_semaphore, #tpu.memory_space<semaphore_mem>>)
      } else {
      }
    }
    %while3A_93 = arith.constant 1 : i32
    scf.for %while3A_196 = %while3A_91 to %while3A_87 step %while3A_93  : i32 {
      %div3A_197 = arith.constant 8 : i32
      %div3A_198 = arith.divsi %while3A_196, %div3A_197 : i32
      %rem3A_199 = arith.constant 8 : i32
      %rem3A_200 = arith.remsi %while3A_196, %rem3A_199 : i32
      %eq3A_201 = arith.constant 0 : i32
      %eq3A_202 = arith.cmpi eq, %rem3A_200, %eq3A_201 : i32
      %gt3A = arith.constant 0 : i32
      %gt3A_203 = arith.cmpi sgt, %div3A_198, %gt3A : i32
      %and3A_204 = arith.andi %eq3A_202, %gt3A_203 : i1
      %convert_element_type3A_205 = arith.extui %and3A_204 : i1 to i32
      %cond3A_206 = arith.constant 0 : i32
      %cond3A_207 = arith.cmpi ne, %convert_element_type3A_205, %cond3A_206 : i32
      scf.if %cond3A_207 {
        %rem3A_254 = arith.constant 2 : i32
        %rem3A_255 = arith.remsi %div3A_198, %rem3A_254 : i32
        %mul3A_256 = arith.constant 8 : i32
        %mul3A_257 = arith.muli %div3A_198, %mul3A_256 : i32
        %add3A_258 = arith.addi %select_n3A_28, %mul3A_257 : i32
        %dma_wait3A_259 = arith.constant 0 : i32
        %dma_wait3A_260 = arith.constant 0 : i32
        %dma_wait3A_261 = tpu.memref_slice %arg12[%rem3A_255, %dma_wait3A_259, %dma_wait3A_260] : memref<2x8x128xi32, #tpu.memory_space<vmem>> -> memref<1x8x128xi32, #tpu.memory_space<vmem>>
        %dma_wait3A_262 = tpu.memref_squeeze %dma_wait3A_261 : memref<1x8x128xi32, #tpu.memory_space<vmem>> -> memref<8x128xi32, #tpu.memory_space<vmem>>
        %dma_wait3A_263 = arith.constant 0 : i32
        %dma_wait3A_264 = tpu.memref_slice %arg3[%add3A_258, %dma_wait3A_263] : memref<2560x128xi32, #tpu.memory_space<hbm>> -> memref<8x128xi32, #tpu.memory_space<hbm>>
        %dma_wait3A_265 = arith.constant 0 : i32
        %dma_wait3A_266 = arith.constant 0 : i32
        %dma_wait3A_267 = tpu.memref_slice %arg12[%rem3A_255, %dma_wait3A_265, %dma_wait3A_266] : memref<2x8x128xi32, #tpu.memory_space<vmem>> -> memref<1x8x128xi32, #tpu.memory_space<vmem>>
        %dma_wait3A_268 = tpu.memref_squeeze %dma_wait3A_267 : memref<1x8x128xi32, #tpu.memory_space<vmem>> -> memref<8x128xi32, #tpu.memory_space<vmem>>
        %dma_wait3A_269 = arith.constant 0 : i32
        %dma_wait3A_270 = tpu.memref_slice %arg3[%add3A_258, %dma_wait3A_269] : memref<2560x128xi32, #tpu.memory_space<hbm>> -> memref<8x128xi32, #tpu.memory_space<hbm>>
        tpu.wait_dma2 semaphore(%arg18 : memref<!tpu.dma_semaphore, #tpu.memory_space<semaphore_mem>>) src(%dma_wait3A_270 : memref<8x128xi32, #tpu.memory_space<hbm>>) dst(%dma_wait3A_268 : memref<8x128xi32, #tpu.memory_space<vmem>>)
        %dma_wait3A_271 = arith.constant 0 : i32
        %dma_wait3A_272 = arith.constant 0 : i32
        %dma_wait3A_273 = tpu.memref_slice %arg13[%rem3A_255, %dma_wait3A_271, %dma_wait3A_272] : memref<2x8x128xi32, #tpu.memory_space<vmem>> -> memref<1x8x128xi32, #tpu.memory_space<vmem>>
        %dma_wait3A_274 = tpu.memref_squeeze %dma_wait3A_273 : memref<1x8x128xi32, #tpu.memory_space<vmem>> -> memref<8x128xi32, #tpu.memory_space<vmem>>
        %dma_wait3A_275 = arith.constant 0 : i32
        %dma_wait3A_276 = tpu.memref_slice %arg4[%add3A_258, %dma_wait3A_275] : memref<2560x128xi32, #tpu.memory_space<hbm>> -> memref<8x128xi32, #tpu.memory_space<hbm>>
        %dma_wait3A_277 = arith.constant 0 : i32
        %dma_wait3A_278 = arith.constant 0 : i32
        %dma_wait3A_279 = tpu.memref_slice %arg13[%rem3A_255, %dma_wait3A_277, %dma_wait3A_278] : memref<2x8x128xi32, #tpu.memory_space<vmem>> -> memref<1x8x128xi32, #tpu.memory_space<vmem>>
        %dma_wait3A_280 = tpu.memref_squeeze %dma_wait3A_279 : memref<1x8x128xi32, #tpu.memory_space<vmem>> -> memref<8x128xi32, #tpu.memory_space<vmem>>
        %dma_wait3A_281 = arith.constant 0 : i32
        %dma_wait3A_282 = tpu.memref_slice %arg4[%add3A_258, %dma_wait3A_281] : memref<2560x128xi32, #tpu.memory_space<hbm>> -> memref<8x128xi32, #tpu.memory_space<hbm>>
        tpu.wait_dma2 semaphore(%arg18 : memref<!tpu.dma_semaphore, #tpu.memory_space<semaphore_mem>>) src(%dma_wait3A_282 : memref<8x128xi32, #tpu.memory_space<hbm>>) dst(%dma_wait3A_280 : memref<8x128xi32, #tpu.memory_space<vmem>>)
      } else {
      }
      %ge3A = arith.constant 2 : i32
      %ge3A_208 = arith.cmpi sge, %while3A_196, %ge3A : i32
      %convert_element_type3A_209 = arith.extui %ge3A_208 : i1 to i32
      %cond3A_210 = arith.constant 0 : i32
      %cond3A_211 = arith.cmpi ne, %convert_element_type3A_209, %cond3A_210 : i32
      scf.if %cond3A_211 {
        %sub3A_254 = arith.constant 2 : i32
        %sub3A_255 = arith.subi %while3A_196, %sub3A_254 : i32
        %div3A_256 = arith.constant 8 : i32
        %div3A_257 = arith.divsi %sub3A_255, %div3A_256 : i32
        %rem3A_258 = arith.constant 2 : i32
        %rem3A_259 = arith.remsi %div3A_257, %rem3A_258 : i32
        %rem3A_260 = arith.constant 8 : i32
        %rem3A_261 = arith.remsi %sub3A_255, %rem3A_260 : i32
        %rem3A_262 = arith.constant 2 : i32
        %rem3A_263 = arith.remsi %sub3A_255, %rem3A_262 : i32
        %dma_wait3A_264 = arith.constant 0 : i32
        %dma_wait3A_265 = arith.constant 0 : i32
        %dma_wait3A_266 = tpu.memref_slice %arg14[%rem3A_263, %dma_wait3A_264, %dma_wait3A_265] : memref<2x128x128xf32, #tpu.memory_space<vmem>> -> memref<1x128x128xf32, #tpu.memory_space<vmem>>
        %dma_wait3A_267 = tpu.memref_squeeze %dma_wait3A_266 : memref<1x128x128xf32, #tpu.memory_space<vmem>> -> memref<128x128xf32, #tpu.memory_space<vmem>>
        %dma_wait3A_268 = arith.constant 0 : i32
        %dma_wait3A_269 = tpu.memref_slice %arg13[%rem3A_259, %rem3A_261, %dma_wait3A_268] : memref<2x8x128xi32, #tpu.memory_space<vmem>> -> memref<1x1x128xi32, #tpu.memory_space<vmem>>
        %dma_wait3A_270 = tpu.memref_squeeze %dma_wait3A_269 : memref<1x1x128xi32, #tpu.memory_space<vmem>> -> memref<128xi32, #tpu.memory_space<vmem>>
        %dma_wait3A_271 = arith.constant 0 : i32
        %dma_wait3A_272 = arith.constant 0 : i32
        %dma_wait3A_273 = tpu.memref_slice %arg15[%dma_wait3A_271, %dma_wait3A_272] : memref<10240x128xf32, #tpu.memory_space<vmem_shared>> -> memref<10240x128xf32, #tpu.memory_space<vmem_shared>>
        tpu.wait_indirect_dma semaphore(%arg17 : memref<!tpu.dma_semaphore, #tpu.memory_space<semaphore_mem>>) src(%dma_wait3A_267 : memref<128x128xf32, #tpu.memory_space<vmem>>) dst(%dma_wait3A_273 : memref<10240x128xf32, #tpu.memory_space<vmem_shared>>)
      } else {
      }
      %div3A_212 = arith.constant 8 : i32
      %div3A_213 = arith.divsi %while3A_196, %div3A_212 : i32
      %rem3A_214 = arith.constant 2 : i32
      %rem3A_215 = arith.remsi %div3A_213, %rem3A_214 : i32
      %rem3A_216 = arith.constant 8 : i32
      %rem3A_217 = arith.remsi %while3A_196, %rem3A_216 : i32
      %rem3A_218 = arith.constant 2 : i32
      %rem3A_219 = arith.remsi %while3A_196, %rem3A_218 : i32
      %dma_start3A_220 = arith.constant 0 : i32
      %dma_start3A_221 = arith.constant 0 : i32
      %dma_start3A_222 = tpu.memref_slice %arg14[%rem3A_219, %dma_start3A_220, %dma_start3A_221] : memref<2x128x128xf32, #tpu.memory_space<vmem>> -> memref<1x128x128xf32, #tpu.memory_space<vmem>>
      %dma_start3A_223 = tpu.memref_squeeze %dma_start3A_222 : memref<1x128x128xf32, #tpu.memory_space<vmem>> -> memref<128x128xf32, #tpu.memory_space<vmem>>
      %dma_start3A_224 = arith.constant 0 : i32
      %dma_start3A_225 = tpu.memref_slice %arg12[%rem3A_215, %rem3A_217, %dma_start3A_224] : memref<2x8x128xi32, #tpu.memory_space<vmem>> -> memref<1x1x128xi32, #tpu.memory_space<vmem>>
      %dma_start3A_226 = tpu.memref_squeeze %dma_start3A_225 : memref<1x1x128xi32, #tpu.memory_space<vmem>> -> memref<128xi32, #tpu.memory_space<vmem>>
      %dma_start3A_227 = arith.constant 0 : i32
      %dma_start3A_228 = arith.constant 0 : i32
      %dma_start3A_229 = tpu.memref_slice %arg2[%dma_start3A_227, %dma_start3A_228] : memref<10240x128xf32, #tpu.memory_space<hbm>> -> memref<10240x128xf32, #tpu.memory_space<hbm>>
      tpu.enqueue_indirect_dma source(%dma_start3A_229 : memref<10240x128xf32, #tpu.memory_space<hbm>>) target(%dma_start3A_223 : memref<128x128xf32, #tpu.memory_space<vmem>>) offsets(%dma_start3A_226 : memref<128xi32, #tpu.memory_space<vmem>>) semaphore(%arg16 : memref<!tpu.dma_semaphore, #tpu.memory_space<semaphore_mem>>)
      %div3A_230 = arith.constant 8 : i32
      %div3A_231 = arith.divsi %while3A_196, %div3A_230 : i32
      %rem3A_232 = arith.constant 2 : i32
      %rem3A_233 = arith.remsi %div3A_231, %rem3A_232 : i32
      %rem3A_234 = arith.constant 8 : i32
      %rem3A_235 = arith.remsi %while3A_196, %rem3A_234 : i32
      %dma_start3A_236 = arith.constant 0 : i32
      %dma_start3A_237 = tpu.memref_slice %arg13[%rem3A_233, %rem3A_235, %dma_start3A_236] : memref<2x8x128xi32, #tpu.memory_space<vmem>> -> memref<1x1x128xi32, #tpu.memory_space<vmem>>
      %dma_start3A_238 = tpu.memref_squeeze %dma_start3A_237 : memref<1x1x128xi32, #tpu.memory_space<vmem>> -> memref<128xi32, #tpu.memory_space<vmem>>
      %dma_start3A_239 = arith.constant 0 : i32
      %dma_start3A_240 = tpu.memref_slice %arg20[%dma_start3A_239] : memref<10240xf32, #tpu.memory_space<vmem_shared>> -> memref<10240xf32, #tpu.memory_space<vmem_shared>>
      tpu.enqueue_indirect_dma source(%arg19 : memref<128xf32, #tpu.memory_space<vmem>>) target(%dma_start3A_240 : memref<10240xf32, #tpu.memory_space<vmem_shared>>) offsets(%dma_start3A_238 : memref<128xi32, #tpu.memory_space<vmem>>) semaphore(%arg21 : memref<!tpu.dma_semaphore, #tpu.memory_space<semaphore_mem>>) {add = true}
      %ge3A_241 = arith.constant 1 : i32
      %ge3A_242 = arith.cmpi sge, %while3A_196, %ge3A_241 : i32
      %convert_element_type3A_243 = arith.extui %ge3A_242 : i1 to i32
      %cond3A_244 = arith.constant 0 : i32
      %cond3A_245 = arith.cmpi ne, %convert_element_type3A_243, %cond3A_244 : i32
      scf.if %cond3A_245 {
        %sub3A_254 = arith.constant 1 : i32
        %sub3A_255 = arith.subi %while3A_196, %sub3A_254 : i32
        %div3A_256 = arith.constant 8 : i32
        %div3A_257 = arith.divsi %sub3A_255, %div3A_256 : i32
        %rem3A_258 = arith.constant 2 : i32
        %rem3A_259 = arith.remsi %div3A_257, %rem3A_258 : i32
        %rem3A_260 = arith.constant 8 : i32
        %rem3A_261 = arith.remsi %sub3A_255, %rem3A_260 : i32
        %rem3A_262 = arith.constant 2 : i32
        %rem3A_263 = arith.remsi %sub3A_255, %rem3A_262 : i32
        %dma_wait3A_264 = arith.constant 0 : i32
        %dma_wait3A_265 = arith.constant 0 : i32
        %dma_wait3A_266 = tpu.memref_slice %arg14[%rem3A_263, %dma_wait3A_264, %dma_wait3A_265] : memref<2x128x128xf32, #tpu.memory_space<vmem>> -> memref<1x128x128xf32, #tpu.memory_space<vmem>>
        %dma_wait3A_267 = tpu.memref_squeeze %dma_wait3A_266 : memref<1x128x128xf32, #tpu.memory_space<vmem>> -> memref<128x128xf32, #tpu.memory_space<vmem>>
        %dma_wait3A_268 = arith.constant 0 : i32
        %dma_wait3A_269 = tpu.memref_slice %arg12[%rem3A_259, %rem3A_261, %dma_wait3A_268] : memref<2x8x128xi32, #tpu.memory_space<vmem>> -> memref<1x1x128xi32, #tpu.memory_space<vmem>>
        %dma_wait3A_270 = tpu.memref_squeeze %dma_wait3A_269 : memref<1x1x128xi32, #tpu.memory_space<vmem>> -> memref<128xi32, #tpu.memory_space<vmem>>
        %dma_wait3A_271 = arith.constant 0 : i32
        %dma_wait3A_272 = arith.constant 0 : i32
        %dma_wait3A_273 = tpu.memref_slice %arg2[%dma_wait3A_271, %dma_wait3A_272] : memref<10240x128xf32, #tpu.memory_space<hbm>> -> memref<10240x128xf32, #tpu.memory_space<hbm>>
        tpu.wait_indirect_dma semaphore(%arg16 : memref<!tpu.dma_semaphore, #tpu.memory_space<semaphore_mem>>) src(%dma_wait3A_273 : memref<10240x128xf32, #tpu.memory_space<hbm>>) dst(%dma_wait3A_267 : memref<128x128xf32, #tpu.memory_space<vmem>>)
        %sub3A_274 = arith.constant 1 : i32
        %sub3A_275 = arith.subi %while3A_196, %sub3A_274 : i32
        %div3A_276 = arith.constant 8 : i32
        %div3A_277 = arith.divsi %sub3A_275, %div3A_276 : i32
        %rem3A_278 = arith.constant 2 : i32
        %rem3A_279 = arith.remsi %div3A_277, %rem3A_278 : i32
        %rem3A_280 = arith.constant 8 : i32
        %rem3A_281 = arith.remsi %sub3A_275, %rem3A_280 : i32
        %rem3A_282 = arith.constant 2 : i32
        %rem3A_283 = arith.remsi %sub3A_275, %rem3A_282 : i32
        %dma_start3A_284 = arith.constant 0 : i32
        %dma_start3A_285 = arith.constant 0 : i32
        %dma_start3A_286 = tpu.memref_slice %arg14[%rem3A_283, %dma_start3A_284, %dma_start3A_285] : memref<2x128x128xf32, #tpu.memory_space<vmem>> -> memref<1x128x128xf32, #tpu.memory_space<vmem>>
        %dma_start3A_287 = tpu.memref_squeeze %dma_start3A_286 : memref<1x128x128xf32, #tpu.memory_space<vmem>> -> memref<128x128xf32, #tpu.memory_space<vmem>>
        %dma_start3A_288 = arith.constant 0 : i32
        %dma_start3A_289 = tpu.memref_slice %arg13[%rem3A_279, %rem3A_281, %dma_start3A_288] : memref<2x8x128xi32, #tpu.memory_space<vmem>> -> memref<1x1x128xi32, #tpu.memory_space<vmem>>
        %dma_start3A_290 = tpu.memref_squeeze %dma_start3A_289 : memref<1x1x128xi32, #tpu.memory_space<vmem>> -> memref<128xi32, #tpu.memory_space<vmem>>
        %dma_start3A_291 = arith.constant 0 : i32
        %dma_start3A_292 = arith.constant 0 : i32
        %dma_start3A_293 = tpu.memref_slice %arg15[%dma_start3A_291, %dma_start3A_292] : memref<10240x128xf32, #tpu.memory_space<vmem_shared>> -> memref<10240x128xf32, #tpu.memory_space<vmem_shared>>
        tpu.enqueue_indirect_dma source(%dma_start3A_287 : memref<128x128xf32, #tpu.memory_space<vmem>>) target(%dma_start3A_293 : memref<10240x128xf32, #tpu.memory_space<vmem_shared>>) offsets(%dma_start3A_290 : memref<128xi32, #tpu.memory_space<vmem>>) semaphore(%arg17 : memref<!tpu.dma_semaphore, #tpu.memory_space<semaphore_mem>>) {add = true}
        %sub3A_294 = arith.constant 1 : i32
        %sub3A_295 = arith.subi %while3A_196, %sub3A_294 : i32
        %div3A_296 = arith.constant 8 : i32
        %div3A_297 = arith.divsi %sub3A_295, %div3A_296 : i32
        %rem3A_298 = arith.constant 2 : i32
        %rem3A_299 = arith.remsi %div3A_297, %rem3A_298 : i32
        %rem3A_300 = arith.constant 8 : i32
        %rem3A_301 = arith.remsi %sub3A_295, %rem3A_300 : i32
        %dma_wait3A_302 = arith.constant 0 : i32
        %dma_wait3A_303 = tpu.memref_slice %arg13[%rem3A_299, %rem3A_301, %dma_wait3A_302] : memref<2x8x128xi32, #tpu.memory_space<vmem>> -> memref<1x1x128xi32, #tpu.memory_space<vmem>>
        %dma_wait3A_304 = tpu.memref_squeeze %dma_wait3A_303 : memref<1x1x128xi32, #tpu.memory_space<vmem>> -> memref<128xi32, #tpu.memory_space<vmem>>
        %dma_wait3A_305 = arith.constant 0 : i32
        %dma_wait3A_306 = tpu.memref_slice %arg20[%dma_wait3A_305] : memref<10240xf32, #tpu.memory_space<vmem_shared>> -> memref<10240xf32, #tpu.memory_space<vmem_shared>>
        tpu.wait_indirect_dma semaphore(%arg21 : memref<!tpu.dma_semaphore, #tpu.memory_space<semaphore_mem>>) src(%arg19 : memref<128xf32, #tpu.memory_space<vmem>>) dst(%dma_wait3A_306 : memref<10240xf32, #tpu.memory_space<vmem_shared>>)
      } else {
      }
      %eq3A_246 = arith.constant 0 : i32
      %eq3A_247 = arith.cmpi eq, %rem3A_200, %eq3A_246 : i32
      %add3A_248 = arith.constant 1 : i32
      %add3A_249 = arith.addi %div3A_198, %add3A_248 : i32
      %lt3A = arith.cmpi slt, %add3A_249, %select_n3A_20 : i32
      %and3A_250 = arith.andi %eq3A_247, %lt3A : i1
      %convert_element_type3A_251 = arith.extui %and3A_250 : i1 to i32
      %cond3A_252 = arith.constant 0 : i32
      %cond3A_253 = arith.cmpi ne, %convert_element_type3A_251, %cond3A_252 : i32
      scf.if %cond3A_253 {
        %add3A_254 = arith.constant 1 : i32
        %add3A_255 = arith.addi %div3A_198, %add3A_254 : i32
        %rem3A_256 = arith.constant 2 : i32
        %rem3A_257 = arith.remsi %add3A_255, %rem3A_256 : i32
        %mul3A_258 = arith.constant 8 : i32
        %mul3A_259 = arith.muli %add3A_255, %mul3A_258 : i32
        %add3A_260 = arith.addi %select_n3A_28, %mul3A_259 : i32
        %dma_start3A_261 = arith.constant 0 : i32
        %dma_start3A_262 = arith.constant 0 : i32
        %dma_start3A_263 = tpu.memref_slice %arg12[%rem3A_257, %dma_start3A_261, %dma_start3A_262] : memref<2x8x128xi32, #tpu.memory_space<vmem>> -> memref<1x8x128xi32, #tpu.memory_space<vmem>>
        %dma_start3A_264 = tpu.memref_squeeze %dma_start3A_263 : memref<1x8x128xi32, #tpu.memory_space<vmem>> -> memref<8x128xi32, #tpu.memory_space<vmem>>
        %dma_start3A_265 = arith.constant 0 : i32
        %dma_start3A_266 = tpu.memref_slice %arg3[%add3A_260, %dma_start3A_265] : memref<2560x128xi32, #tpu.memory_space<hbm>> -> memref<8x128xi32, #tpu.memory_space<hbm>>
        %dma_start3A_267 = arith.constant 0 : i32
        %dma_start3A_268 = arith.constant 0 : i32
        %dma_start3A_269 = tpu.memref_slice %arg12[%rem3A_257, %dma_start3A_267, %dma_start3A_268] : memref<2x8x128xi32, #tpu.memory_space<vmem>> -> memref<1x8x128xi32, #tpu.memory_space<vmem>>
        %dma_start3A_270 = tpu.memref_squeeze %dma_start3A_269 : memref<1x8x128xi32, #tpu.memory_space<vmem>> -> memref<8x128xi32, #tpu.memory_space<vmem>>
        %dma_start3A_271 = arith.constant 0 : i32
        %dma_start3A_272 = tpu.memref_slice %arg3[%add3A_260, %dma_start3A_271] : memref<2560x128xi32, #tpu.memory_space<hbm>> -> memref<8x128xi32, #tpu.memory_space<hbm>>
        tpu.enqueue_dma source(%dma_start3A_272 : memref<8x128xi32, #tpu.memory_space<hbm>>) target(%dma_start3A_270 : memref<8x128xi32, #tpu.memory_space<vmem>>) target_semaphore(%arg18 : memref<!tpu.dma_semaphore, #tpu.memory_space<semaphore_mem>>)
        %dma_start3A_273 = arith.constant 0 : i32
        %dma_start3A_274 = arith.constant 0 : i32
        %dma_start3A_275 = tpu.memref_slice %arg13[%rem3A_257, %dma_start3A_273, %dma_start3A_274] : memref<2x8x128xi32, #tpu.memory_space<vmem>> -> memref<1x8x128xi32, #tpu.memory_space<vmem>>
        %dma_start3A_276 = tpu.memref_squeeze %dma_start3A_275 : memref<1x8x128xi32, #tpu.memory_space<vmem>> -> memref<8x128xi32, #tpu.memory_space<vmem>>
        %dma_start3A_277 = arith.constant 0 : i32
        %dma_start3A_278 = tpu.memref_slice %arg4[%add3A_260, %dma_start3A_277] : memref<2560x128xi32, #tpu.memory_space<hbm>> -> memref<8x128xi32, #tpu.memory_space<hbm>>
        %dma_start3A_279 = arith.constant 0 : i32
        %dma_start3A_280 = arith.constant 0 : i32
        %dma_start3A_281 = tpu.memref_slice %arg13[%rem3A_257, %dma_start3A_279, %dma_start3A_280] : memref<2x8x128xi32, #tpu.memory_space<vmem>> -> memref<1x8x128xi32, #tpu.memory_space<vmem>>
        %dma_start3A_282 = tpu.memref_squeeze %dma_start3A_281 : memref<1x8x128xi32, #tpu.memory_space<vmem>> -> memref<8x128xi32, #tpu.memory_space<vmem>>
        %dma_start3A_283 = arith.constant 0 : i32
        %dma_start3A_284 = tpu.memref_slice %arg4[%add3A_260, %dma_start3A_283] : memref<2560x128xi32, #tpu.memory_space<hbm>> -> memref<8x128xi32, #tpu.memory_space<hbm>>
        tpu.enqueue_dma source(%dma_start3A_284 : memref<8x128xi32, #tpu.memory_space<hbm>>) target(%dma_start3A_282 : memref<8x128xi32, #tpu.memory_space<vmem>>) target_semaphore(%arg18 : memref<!tpu.dma_semaphore, #tpu.memory_space<semaphore_mem>>)
      } else {
      }
    }
    %sub3A_94 = arith.constant 1 : i32
    %sub3A_95 = arith.subi %select_n3A, %sub3A_94 : i32
    %div3A_96 = arith.constant 8 : i32
    %div3A_97 = arith.divsi %sub3A_95, %div3A_96 : i32
    %rem3A_98 = arith.constant 2 : i32
    %rem3A_99 = arith.remsi %div3A_97, %rem3A_98 : i32
    %rem3A_100 = arith.constant 8 : i32
    %rem3A_101 = arith.remsi %sub3A_95, %rem3A_100 : i32
    %rem3A_102 = arith.constant 2 : i32
    %rem3A_103 = arith.remsi %sub3A_95, %rem3A_102 : i32
    %dma_wait3A_104 = arith.constant 0 : i32
    %dma_wait3A_105 = arith.constant 0 : i32
    %dma_wait3A_106 = tpu.memref_slice %arg14[%rem3A_103, %dma_wait3A_104, %dma_wait3A_105] : memref<2x128x128xf32, #tpu.memory_space<vmem>> -> memref<1x128x128xf32, #tpu.memory_space<vmem>>
    %dma_wait3A_107 = tpu.memref_squeeze %dma_wait3A_106 : memref<1x128x128xf32, #tpu.memory_space<vmem>> -> memref<128x128xf32, #tpu.memory_space<vmem>>
    %dma_wait3A_108 = arith.constant 0 : i32
    %dma_wait3A_109 = tpu.memref_slice %arg12[%rem3A_99, %rem3A_101, %dma_wait3A_108] : memref<2x8x128xi32, #tpu.memory_space<vmem>> -> memref<1x1x128xi32, #tpu.memory_space<vmem>>
    %dma_wait3A_110 = tpu.memref_squeeze %dma_wait3A_109 : memref<1x1x128xi32, #tpu.memory_space<vmem>> -> memref<128xi32, #tpu.memory_space<vmem>>
    %dma_wait3A_111 = arith.constant 0 : i32
    %dma_wait3A_112 = arith.constant 0 : i32
    %dma_wait3A_113 = tpu.memref_slice %arg2[%dma_wait3A_111, %dma_wait3A_112] : memref<10240x128xf32, #tpu.memory_space<hbm>> -> memref<10240x128xf32, #tpu.memory_space<hbm>>
    tpu.wait_indirect_dma semaphore(%arg16 : memref<!tpu.dma_semaphore, #tpu.memory_space<semaphore_mem>>) src(%dma_wait3A_113 : memref<10240x128xf32, #tpu.memory_space<hbm>>) dst(%dma_wait3A_107 : memref<128x128xf32, #tpu.memory_space<vmem>>)
    %sub3A_114 = arith.constant 1 : i32
    %sub3A_115 = arith.subi %select_n3A, %sub3A_114 : i32
    %div3A_116 = arith.constant 8 : i32
    %div3A_117 = arith.divsi %sub3A_115, %div3A_116 : i32
    %rem3A_118 = arith.constant 2 : i32
    %rem3A_119 = arith.remsi %div3A_117, %rem3A_118 : i32
    %rem3A_120 = arith.constant 8 : i32
    %rem3A_121 = arith.remsi %sub3A_115, %rem3A_120 : i32
    %rem3A_122 = arith.constant 2 : i32
    %rem3A_123 = arith.remsi %sub3A_115, %rem3A_122 : i32
    %dma_start3A_124 = arith.constant 0 : i32
    %dma_start3A_125 = arith.constant 0 : i32
    %dma_start3A_126 = tpu.memref_slice %arg14[%rem3A_123, %dma_start3A_124, %dma_start3A_125] : memref<2x128x128xf32, #tpu.memory_space<vmem>> -> memref<1x128x128xf32, #tpu.memory_space<vmem>>
    %dma_start3A_127 = tpu.memref_squeeze %dma_start3A_126 : memref<1x128x128xf32, #tpu.memory_space<vmem>> -> memref<128x128xf32, #tpu.memory_space<vmem>>
    %dma_start3A_128 = arith.constant 0 : i32
    %dma_start3A_129 = tpu.memref_slice %arg13[%rem3A_119, %rem3A_121, %dma_start3A_128] : memref<2x8x128xi32, #tpu.memory_space<vmem>> -> memref<1x1x128xi32, #tpu.memory_space<vmem>>
    %dma_start3A_130 = tpu.memref_squeeze %dma_start3A_129 : memref<1x1x128xi32, #tpu.memory_space<vmem>> -> memref<128xi32, #tpu.memory_space<vmem>>
    %dma_start3A_131 = arith.constant 0 : i32
    %dma_start3A_132 = arith.constant 0 : i32
    %dma_start3A_133 = tpu.memref_slice %arg15[%dma_start3A_131, %dma_start3A_132] : memref<10240x128xf32, #tpu.memory_space<vmem_shared>> -> memref<10240x128xf32, #tpu.memory_space<vmem_shared>>
    tpu.enqueue_indirect_dma source(%dma_start3A_127 : memref<128x128xf32, #tpu.memory_space<vmem>>) target(%dma_start3A_133 : memref<10240x128xf32, #tpu.memory_space<vmem_shared>>) offsets(%dma_start3A_130 : memref<128xi32, #tpu.memory_space<vmem>>) semaphore(%arg17 : memref<!tpu.dma_semaphore, #tpu.memory_space<semaphore_mem>>) {add = true}
    %sub3A_134 = arith.constant 2 : i32
    %sub3A_135 = arith.subi %select_n3A, %sub3A_134 : i32
    %div3A_136 = arith.constant 8 : i32
    %div3A_137 = arith.divsi %sub3A_135, %div3A_136 : i32
    %rem3A_138 = arith.constant 2 : i32
    %rem3A_139 = arith.remsi %div3A_137, %rem3A_138 : i32
    %rem3A_140 = arith.constant 8 : i32
    %rem3A_141 = arith.remsi %sub3A_135, %rem3A_140 : i32
    %rem3A_142 = arith.constant 2 : i32
    %rem3A_143 = arith.remsi %sub3A_135, %rem3A_142 : i32
    %dma_wait3A_144 = arith.constant 0 : i32
    %dma_wait3A_145 = arith.constant 0 : i32
    %dma_wait3A_146 = tpu.memref_slice %arg14[%rem3A_143, %dma_wait3A_144, %dma_wait3A_145] : memref<2x128x128xf32, #tpu.memory_space<vmem>> -> memref<1x128x128xf32, #tpu.memory_space<vmem>>
    %dma_wait3A_147 = tpu.memref_squeeze %dma_wait3A_146 : memref<1x128x128xf32, #tpu.memory_space<vmem>> -> memref<128x128xf32, #tpu.memory_space<vmem>>
    %dma_wait3A_148 = arith.constant 0 : i32
    %dma_wait3A_149 = tpu.memref_slice %arg13[%rem3A_139, %rem3A_141, %dma_wait3A_148] : memref<2x8x128xi32, #tpu.memory_space<vmem>> -> memref<1x1x128xi32, #tpu.memory_space<vmem>>
    %dma_wait3A_150 = tpu.memref_squeeze %dma_wait3A_149 : memref<1x1x128xi32, #tpu.memory_space<vmem>> -> memref<128xi32, #tpu.memory_space<vmem>>
    %dma_wait3A_151 = arith.constant 0 : i32
    %dma_wait3A_152 = arith.constant 0 : i32
    %dma_wait3A_153 = tpu.memref_slice %arg15[%dma_wait3A_151, %dma_wait3A_152] : memref<10240x128xf32, #tpu.memory_space<vmem_shared>> -> memref<10240x128xf32, #tpu.memory_space<vmem_shared>>
    tpu.wait_indirect_dma semaphore(%arg17 : memref<!tpu.dma_semaphore, #tpu.memory_space<semaphore_mem>>) src(%dma_wait3A_147 : memref<128x128xf32, #tpu.memory_space<vmem>>) dst(%dma_wait3A_153 : memref<10240x128xf32, #tpu.memory_space<vmem_shared>>)
    %sub3A_154 = arith.constant 1 : i32
    %sub3A_155 = arith.subi %select_n3A, %sub3A_154 : i32
    %div3A_156 = arith.constant 8 : i32
    %div3A_157 = arith.divsi %sub3A_155, %div3A_156 : i32
    %rem3A_158 = arith.constant 2 : i32
    %rem3A_159 = arith.remsi %div3A_157, %rem3A_158 : i32
    %rem3A_160 = arith.constant 8 : i32
    %rem3A_161 = arith.remsi %sub3A_155, %rem3A_160 : i32
    %rem3A_162 = arith.constant 2 : i32
    %rem3A_163 = arith.remsi %sub3A_155, %rem3A_162 : i32
    %dma_wait3A_164 = arith.constant 0 : i32
    %dma_wait3A_165 = arith.constant 0 : i32
    %dma_wait3A_166 = tpu.memref_slice %arg14[%rem3A_163, %dma_wait3A_164, %dma_wait3A_165] : memref<2x128x128xf32, #tpu.memory_space<vmem>> -> memref<1x128x128xf32, #tpu.memory_space<vmem>>
    %dma_wait3A_167 = tpu.memref_squeeze %dma_wait3A_166 : memref<1x128x128xf32, #tpu.memory_space<vmem>> -> memref<128x128xf32, #tpu.memory_space<vmem>>
    %dma_wait3A_168 = arith.constant 0 : i32
    %dma_wait3A_169 = tpu.memref_slice %arg13[%rem3A_159, %rem3A_161, %dma_wait3A_168] : memref<2x8x128xi32, #tpu.memory_space<vmem>> -> memref<1x1x128xi32, #tpu.memory_space<vmem>>
    %dma_wait3A_170 = tpu.memref_squeeze %dma_wait3A_169 : memref<1x1x128xi32, #tpu.memory_space<vmem>> -> memref<128xi32, #tpu.memory_space<vmem>>
    %dma_wait3A_171 = arith.constant 0 : i32
    %dma_wait3A_172 = arith.constant 0 : i32
    %dma_wait3A_173 = tpu.memref_slice %arg15[%dma_wait3A_171, %dma_wait3A_172] : memref<10240x128xf32, #tpu.memory_space<vmem_shared>> -> memref<10240x128xf32, #tpu.memory_space<vmem_shared>>
    tpu.wait_indirect_dma semaphore(%arg17 : memref<!tpu.dma_semaphore, #tpu.memory_space<semaphore_mem>>) src(%dma_wait3A_167 : memref<128x128xf32, #tpu.memory_space<vmem>>) dst(%dma_wait3A_173 : memref<10240x128xf32, #tpu.memory_space<vmem_shared>>)
    %sub3A_174 = arith.constant 1 : i32
    %sub3A_175 = arith.subi %select_n3A, %sub3A_174 : i32
    %div3A_176 = arith.constant 8 : i32
    %div3A_177 = arith.divsi %sub3A_175, %div3A_176 : i32
    %rem3A_178 = arith.constant 2 : i32
    %rem3A_179 = arith.remsi %div3A_177, %rem3A_178 : i32
    %rem3A_180 = arith.constant 8 : i32
    %rem3A_181 = arith.remsi %sub3A_175, %rem3A_180 : i32
    %dma_wait3A_182 = arith.constant 0 : i32
    %dma_wait3A_183 = tpu.memref_slice %arg13[%rem3A_179, %rem3A_181, %dma_wait3A_182] : memref<2x8x128xi32, #tpu.memory_space<vmem>> -> memref<1x1x128xi32, #tpu.memory_space<vmem>>
    %dma_wait3A_184 = tpu.memref_squeeze %dma_wait3A_183 : memref<1x1x128xi32, #tpu.memory_space<vmem>> -> memref<128xi32, #tpu.memory_space<vmem>>
    %dma_wait3A_185 = arith.constant 0 : i32
    %dma_wait3A_186 = tpu.memref_slice %arg20[%dma_wait3A_185] : memref<10240xf32, #tpu.memory_space<vmem_shared>> -> memref<10240xf32, #tpu.memory_space<vmem_shared>>
    tpu.wait_indirect_dma semaphore(%arg21 : memref<!tpu.dma_semaphore, #tpu.memory_space<semaphore_mem>>) src(%arg19 : memref<128xf32, #tpu.memory_space<vmem>>) dst(%dma_wait3A_186 : memref<10240xf32, #tpu.memory_space<vmem_shared>>)
    %barrier3A_187 = arith.constant 0 : index
    tpu.barrier barrier_id(%barrier3A_187)
    %eq3A_188 = arith.constant 0 : i32
    %eq3A_189 = arith.cmpi eq, %arg0, %eq3A_188 : i32
    %convert_element_type3A = arith.extui %eq3A_189 : i1 to i32
    %cond3A = arith.constant 0 : i32
    %cond3A_190 = arith.cmpi ne, %convert_element_type3A, %cond3A : i32
    scf.if %cond3A_190 {
      "tpu.region"() ({
        %run_scoped3A = tpu.sem_alloc : memref<!tpu.dma_semaphore, #tpu.memory_space<semaphore_mem>>
        %dma_start3A_196 = arith.constant 0 : i32
        %dma_start3A_197 = tpu.memref_slice %arg8[%mul3A_0, %dma_start3A_196] : memref<10240x128xf32, #tpu.memory_space<hbm>> -> memref<640x128xf32, #tpu.memory_space<hbm>>
        %dma_start3A_198 = arith.constant 0 : i32
        %dma_start3A_199 = tpu.memref_slice %arg15[%mul3A_0, %dma_start3A_198] : memref<10240x128xf32, #tpu.memory_space<vmem_shared>> -> memref<640x128xf32, #tpu.memory_space<vmem_shared>>
        tpu.enqueue_dma source(%dma_start3A_199 : memref<640x128xf32, #tpu.memory_space<vmem_shared>>) target(%dma_start3A_197 : memref<640x128xf32, #tpu.memory_space<hbm>>) target_semaphore(%run_scoped3A : memref<!tpu.dma_semaphore, #tpu.memory_space<semaphore_mem>>)
        %dma_wait3A_200 = arith.constant 0 : i32
        %dma_wait3A_201 = tpu.memref_slice %arg8[%mul3A_0, %dma_wait3A_200] : memref<10240x128xf32, #tpu.memory_space<hbm>> -> memref<640x128xf32, #tpu.memory_space<hbm>>
        %dma_wait3A_202 = arith.constant 0 : i32
        %dma_wait3A_203 = tpu.memref_slice %arg15[%mul3A_0, %dma_wait3A_202] : memref<10240x128xf32, #tpu.memory_space<vmem_shared>> -> memref<640x128xf32, #tpu.memory_space<vmem_shared>>
        tpu.wait_dma2 semaphore(%run_scoped3A : memref<!tpu.dma_semaphore, #tpu.memory_space<semaphore_mem>>) src(%dma_wait3A_203 : memref<640x128xf32, #tpu.memory_space<vmem_shared>>) dst(%dma_wait3A_201 : memref<640x128xf32, #tpu.memory_space<hbm>>)
        tpu.yield
      }) : () -> ()
      "tpu.region"() ({
        %run_scoped3A = tpu.sem_alloc : memref<!tpu.dma_semaphore, #tpu.memory_space<semaphore_mem>>
        %dma_start3A_196 = tpu.memref_slice %arg10[%mul3A_0] : memref<10240xf32, #tpu.memory_space<hbm>> -> memref<640xf32, #tpu.memory_space<hbm>>
        %dma_start3A_197 = tpu.memref_slice %arg20[%mul3A_0] : memref<10240xf32, #tpu.memory_space<vmem_shared>> -> memref<640xf32, #tpu.memory_space<vmem_shared>>
        tpu.enqueue_dma source(%dma_start3A_197 : memref<640xf32, #tpu.memory_space<vmem_shared>>) target(%dma_start3A_196 : memref<640xf32, #tpu.memory_space<hbm>>) target_semaphore(%run_scoped3A : memref<!tpu.dma_semaphore, #tpu.memory_space<semaphore_mem>>)
        %dma_wait3A_198 = tpu.memref_slice %arg10[%mul3A_0] : memref<10240xf32, #tpu.memory_space<hbm>> -> memref<640xf32, #tpu.memory_space<hbm>>
        %dma_wait3A_199 = tpu.memref_slice %arg20[%mul3A_0] : memref<10240xf32, #tpu.memory_space<vmem_shared>> -> memref<640xf32, #tpu.memory_space<vmem_shared>>
        tpu.wait_dma2 semaphore(%run_scoped3A : memref<!tpu.dma_semaphore, #tpu.memory_space<semaphore_mem>>) src(%dma_wait3A_199 : memref<640xf32, #tpu.memory_space<vmem_shared>>) dst(%dma_wait3A_198 : memref<640xf32, #tpu.memory_space<hbm>>)
        tpu.yield
      }) : () -> ()
    } else {
    }
    %eq3A_191 = arith.constant 1 : i32
    %eq3A_192 = arith.cmpi eq, %arg0, %eq3A_191 : i32
    %convert_element_type3A_193 = arith.extui %eq3A_192 : i1 to i32
    %cond3A_194 = arith.constant 0 : i32
    %cond3A_195 = arith.cmpi ne, %convert_element_type3A_193, %cond3A_194 : i32
    scf.if %cond3A_195 {
      "tpu.region"() ({
        %run_scoped3A = tpu.sem_alloc : memref<!tpu.dma_semaphore, #tpu.memory_space<semaphore_mem>>
        %dma_start3A_196 = arith.constant 0 : i32
        %dma_start3A_197 = tpu.memref_slice %arg9[%mul3A_0, %dma_start3A_196] : memref<10240x128xf32, #tpu.memory_space<hbm>> -> memref<640x128xf32, #tpu.memory_space<hbm>>
        %dma_start3A_198 = arith.constant 0 : i32
        %dma_start3A_199 = tpu.memref_slice %arg15[%mul3A_0, %dma_start3A_198] : memref<10240x128xf32, #tpu.memory_space<vmem_shared>> -> memref<640x128xf32, #tpu.memory_space<vmem_shared>>
        tpu.enqueue_dma source(%dma_start3A_199 : memref<640x128xf32, #tpu.memory_space<vmem_shared>>) target(%dma_start3A_197 : memref<640x128xf32, #tpu.memory_space<hbm>>) target_semaphore(%run_scoped3A : memref<!tpu.dma_semaphore, #tpu.memory_space<semaphore_mem>>)
        %dma_wait3A_200 = arith.constant 0 : i32
        %dma_wait3A_201 = tpu.memref_slice %arg9[%mul3A_0, %dma_wait3A_200] : memref<10240x128xf32, #tpu.memory_space<hbm>> -> memref<640x128xf32, #tpu.memory_space<hbm>>
        %dma_wait3A_202 = arith.constant 0 : i32
        %dma_wait3A_203 = tpu.memref_slice %arg15[%mul3A_0, %dma_wait3A_202] : memref<10240x128xf32, #tpu.memory_space<vmem_shared>> -> memref<640x128xf32, #tpu.memory_space<vmem_shared>>
        tpu.wait_dma2 semaphore(%run_scoped3A : memref<!tpu.dma_semaphore, #tpu.memory_space<semaphore_mem>>) src(%dma_wait3A_203 : memref<640x128xf32, #tpu.memory_space<vmem_shared>>) dst(%dma_wait3A_201 : memref<640x128xf32, #tpu.memory_space<hbm>>)
        tpu.yield
      }) : () -> ()
      "tpu.region"() ({
        %run_scoped3A = tpu.sem_alloc : memref<!tpu.dma_semaphore, #tpu.memory_space<semaphore_mem>>
        %dma_start3A_196 = tpu.memref_slice %arg11[%mul3A_0] : memref<10240xf32, #tpu.memory_space<hbm>> -> memref<640xf32, #tpu.memory_space<hbm>>
        %dma_start3A_197 = tpu.memref_slice %arg20[%mul3A_0] : memref<10240xf32, #tpu.memory_space<vmem_shared>> -> memref<640xf32, #tpu.memory_space<vmem_shared>>
        tpu.enqueue_dma source(%dma_start3A_197 : memref<640xf32, #tpu.memory_space<vmem_shared>>) target(%dma_start3A_196 : memref<640xf32, #tpu.memory_space<hbm>>) target_semaphore(%run_scoped3A : memref<!tpu.dma_semaphore, #tpu.memory_space<semaphore_mem>>)
        %dma_wait3A_198 = tpu.memref_slice %arg11[%mul3A_0] : memref<10240xf32, #tpu.memory_space<hbm>> -> memref<640xf32, #tpu.memory_space<hbm>>
        %dma_wait3A_199 = tpu.memref_slice %arg20[%mul3A_0] : memref<10240xf32, #tpu.memory_space<vmem_shared>> -> memref<640xf32, #tpu.memory_space<vmem_shared>>
        tpu.wait_dma2 semaphore(%run_scoped3A : memref<!tpu.dma_semaphore, #tpu.memory_space<semaphore_mem>>) src(%dma_wait3A_199 : memref<640xf32, #tpu.memory_space<vmem_shared>>) dst(%dma_wait3A_198 : memref<640xf32, #tpu.memory_space<hbm>>)
        tpu.yield
      }) : () -> ()
    } else {
    }
    return
  }
}

module attributes {stable_mosaic.version = 14 : i64} {
  func.func @_dense1_body(%arg0: i32, %arg1: memref<1024x128xf32, #tpu.memory_space<vmem>>, %arg2: memref<1024x128xf32, #tpu.memory_space<vmem>>, %arg3: memref<1024x1xf32, #tpu.memory_space<vmem>>, %arg4: memref<1024x1xf32, #tpu.memory_space<vmem>>, %arg5: memref<1024x128xf32, #tpu.memory_space<vmem>>, %arg6: memref<128x128xf32, #tpu.memory_space<vmem>>, %arg7: memref<128x128xf32, #tpu.memory_space<vmem>>, %arg8: memref<1x128xf32, #tpu.memory_space<vmem>>, %arg9: memref<128x64xf32, #tpu.memory_space<vmem>>, %arg10: memref<1x64xf32, #tpu.memory_space<vmem>>, %arg11: memref<1024x128xf32, #tpu.memory_space<vmem>>, %arg12: memref<1024x64xf32, #tpu.memory_space<vmem>>, %arg13: memref<1024x1xf32, #tpu.memory_space<vmem>>) attributes {dimension_semantics = [#tpu.dimension_semantics<arbitrary>], iteration_bounds = array<i64: 10>, scalar_prefetch = 0 : i64, scratch_operands = 0 : i64, tpu.core_type = #tpu.core_type<tc>, window_params = [{transform_indices = @transform_0, window_bounds = array<i64: 1024, 128>}, {transform_indices = @transform_1, window_bounds = array<i64: 1024, 128>}, {transform_indices = @transform_2, window_bounds = array<i64: 1024, 1>}, {transform_indices = @transform_3, window_bounds = array<i64: 1024, 1>}, {transform_indices = @transform_4, window_bounds = array<i64: 1024, 128>}, {pipeline_mode = #tpu.pipeline_mode<synchronous>, transform_indices = @transform_5, window_bounds = array<i64: 128, 128>}, {pipeline_mode = #tpu.pipeline_mode<synchronous>, transform_indices = @transform_6, window_bounds = array<i64: 128, 128>}, {pipeline_mode = #tpu.pipeline_mode<synchronous>, transform_indices = @transform_7, window_bounds = array<i64: 1, 128>}, {pipeline_mode = #tpu.pipeline_mode<synchronous>, transform_indices = @transform_8, window_bounds = array<i64: 128, 64>}, {pipeline_mode = #tpu.pipeline_mode<synchronous>, transform_indices = @transform_9, window_bounds = array<i64: 1, 64>}, {transform_indices = @transform_10, window_bounds = array<i64: 1024, 128>}, {transform_indices = @transform_11, window_bounds = array<i64: 1024, 64>}, {transform_indices = @transform_12, window_bounds = array<i64: 1024, 1>}]} {
    %get3A = arith.constant 0 : index
    %get3A_0 = arith.constant 0 : index
    %get3A_1 = vector.load %arg3[%get3A, %get3A_0] : memref<1024x1xf32, #tpu.memory_space<vmem>>, vector<1024x1xf32>
    %get3A_2 = arith.constant 0 : index
    %get3A_3 = arith.constant 0 : index
    %get3A_4 = vector.load %arg4[%get3A_2, %get3A_3] : memref<1024x1xf32, #tpu.memory_space<vmem>>, vector<1024x1xf32>
    %add3A = arith.addf %get3A_1, %get3A_4 : vector<1024x1xf32>
    %max3A = arith.constant 1.000000e+00 : f32
    %max3A_5 = vector.broadcast %max3A : f32 to vector<1024x1xf32>
    %max3A_6 = arith.maximumf %add3A, %max3A_5 : vector<1024x1xf32>
    %div3A = arith.constant 1.000000e+00 : f32
    %div3A_7 = vector.broadcast %div3A : f32 to vector<1024x1xf32>
    %div3A_8 = arith.divf %div3A_7, %max3A_6 : vector<1024x1xf32>
    %get3A_9 = arith.constant 0 : index
    %get3A_10 = arith.constant 0 : index
    %get3A_11 = vector.load %arg1[%get3A_9, %get3A_10] : memref<1024x128xf32, #tpu.memory_space<vmem>>, vector<1024x128xf32>
    %get3A_12 = arith.constant 0 : index
    %get3A_13 = arith.constant 0 : index
    %get3A_14 = vector.load %arg2[%get3A_12, %get3A_13] : memref<1024x128xf32, #tpu.memory_space<vmem>>, vector<1024x128xf32>
    %add3A_15 = arith.addf %get3A_11, %get3A_14 : vector<1024x128xf32>
    %mul3A = vector.broadcast %div3A_8 : vector<1024x1xf32> to vector<1024x128xf32>
    %mul3A_16 = arith.mulf %add3A_15, %mul3A : vector<1024x128xf32>
    %get3A_17 = arith.constant 0 : index
    %get3A_18 = arith.constant 0 : index
    %get3A_19 = vector.load %arg6[%get3A_17, %get3A_18] : memref<128x128xf32, #tpu.memory_space<vmem>>, vector<128x128xf32>
    %dot_general3A = arith.constant dense<0.000000e+00> : vector<1024x128xf32>
    %dot_general3A_20 = tpu.matmul %mul3A_16, %get3A_19, %dot_general3A {dimension_numbers = #tpu.dot_dimension_numbers<[1], [0], [0], [1], [0, 0, 1, 1], [], []>, transpose_lhs_hint = false} : vector<1024x128xf32>, vector<128x128xf32>, vector<1024x128xf32> -> vector<1024x128xf32>
    %get3A_21 = arith.constant 0 : index
    %get3A_22 = arith.constant 0 : index
    %get3A_23 = vector.load %arg5[%get3A_21, %get3A_22] : memref<1024x128xf32, #tpu.memory_space<vmem>>, vector<1024x128xf32>
    %get3A_24 = arith.constant 0 : index
    %get3A_25 = arith.constant 0 : index
    %get3A_26 = vector.load %arg7[%get3A_24, %get3A_25] : memref<128x128xf32, #tpu.memory_space<vmem>>, vector<128x128xf32>
    %dot_general3A_27 = arith.constant dense<0.000000e+00> : vector<1024x128xf32>
    %dot_general3A_28 = tpu.matmul %get3A_23, %get3A_26, %dot_general3A_27 {dimension_numbers = #tpu.dot_dimension_numbers<[1], [0], [0], [1], [0, 0, 1, 1], [], []>, transpose_lhs_hint = false} : vector<1024x128xf32>, vector<128x128xf32>, vector<1024x128xf32> -> vector<1024x128xf32>
    %add3A_29 = arith.addf %dot_general3A_20, %dot_general3A_28 : vector<1024x128xf32>
    %get3A_30 = arith.constant 0 : index
    %get3A_31 = arith.constant 0 : index
    %get3A_32 = vector.load %arg8[%get3A_30, %get3A_31] : memref<1x128xf32, #tpu.memory_space<vmem>>, vector<1x128xf32>
    %add3A_33 = vector.broadcast %get3A_32 : vector<1x128xf32> to vector<1024x128xf32>
    %add3A_34 = arith.addf %add3A_29, %add3A_33 : vector<1024x128xf32>
    %max3A_35 = arith.constant 0.000000e+00 : f32
    %max3A_36 = vector.broadcast %max3A_35 : f32 to vector<1024x128xf32>
    %max3A_37 = arith.maximumf %add3A_34, %max3A_36 : vector<1024x128xf32>
    %swap3A = arith.constant 0 : index
    %swap3A_38 = arith.constant 0 : index
    %swap3A_39 = vector.load %arg11[%swap3A, %swap3A_38] : memref<1024x128xf32, #tpu.memory_space<vmem>>, vector<1024x128xf32>
    tpu.vector_store %arg11[%swap3A, %swap3A_38], %max3A_37 {strides = array<i32>} : memref<1024x128xf32, #tpu.memory_space<vmem>>, vector<1024x128xf32>,
    %get3A_40 = arith.constant 0 : index
    %get3A_41 = arith.constant 0 : index
    %get3A_42 = vector.load %arg9[%get3A_40, %get3A_41] : memref<128x64xf32, #tpu.memory_space<vmem>>, vector<128x64xf32>
    %dot_general3A_43 = arith.constant dense<0.000000e+00> : vector<1024x64xf32>
    %dot_general3A_44 = tpu.matmul %max3A_37, %get3A_42, %dot_general3A_43 {dimension_numbers = #tpu.dot_dimension_numbers<[1], [0], [0], [1], [0, 0, 1, 1], [], []>, transpose_lhs_hint = false} : vector<1024x128xf32>, vector<128x64xf32>, vector<1024x64xf32> -> vector<1024x64xf32>
    %get3A_45 = arith.constant 0 : index
    %get3A_46 = arith.constant 0 : index
    %get3A_47 = vector.load %arg10[%get3A_45, %get3A_46] : memref<1x64xf32, #tpu.memory_space<vmem>>, vector<1x64xf32>
    %add3A_48 = vector.broadcast %get3A_47 : vector<1x64xf32> to vector<1024x64xf32>
    %add3A_49 = arith.addf %dot_general3A_44, %add3A_48 : vector<1024x64xf32>
    %swap3A_50 = arith.constant 0 : index
    %swap3A_51 = arith.constant 0 : index
    %swap3A_52 = vector.load %arg12[%swap3A_50, %swap3A_51] : memref<1024x64xf32, #tpu.memory_space<vmem>>, vector<1024x64xf32>
    tpu.vector_store %arg12[%swap3A_50, %swap3A_51], %add3A_49 {strides = array<i32>} : memref<1024x64xf32, #tpu.memory_space<vmem>>, vector<1024x64xf32>,
    %swap3A_53 = arith.constant 0 : index
    %swap3A_54 = arith.constant 0 : index
    %swap3A_55 = vector.load %arg13[%swap3A_53, %swap3A_54] : memref<1024x1xf32, #tpu.memory_space<vmem>>, vector<1024x1xf32>
    tpu.vector_store %arg13[%swap3A_53, %swap3A_54], %div3A_8 {strides = array<i32>} : memref<1024x1xf32, #tpu.memory_space<vmem>>, vector<1024x1xf32>,
    return
  }
  func.func @transform_0(%arg0: i32) -> (i32, i32) {
    %c0_i32 = arith.constant 0 : i32
    %c0_i32_0 = arith.constant 0 : i32
    return %arg0, %c0_i32 : i32, i32
  }
  func.func @transform_1(%arg0: i32) -> (i32, i32) {
    %c0_i32 = arith.constant 0 : i32
    %c0_i32_0 = arith.constant 0 : i32
    return %arg0, %c0_i32 : i32, i32
  }
  func.func @transform_2(%arg0: i32) -> (i32, i32) {
    %c0_i32 = arith.constant 0 : i32
    %c0_i32_0 = arith.constant 0 : i32
    return %arg0, %c0_i32 : i32, i32
  }
  func.func @transform_3(%arg0: i32) -> (i32, i32) {
    %c0_i32 = arith.constant 0 : i32
    %c0_i32_0 = arith.constant 0 : i32
    return %arg0, %c0_i32 : i32, i32
  }
  func.func @transform_4(%arg0: i32) -> (i32, i32) {
    %c0_i32 = arith.constant 0 : i32
    %c0_i32_0 = arith.constant 0 : i32
    return %arg0, %c0_i32 : i32, i32
  }
  func.func @transform_5(%arg0: i32) -> (i32, i32) {
    %c0_i32 = arith.constant 0 : i32
    %c0_i32_0 = arith.constant 0 : i32
    %c0_i32_1 = arith.constant 0 : i32
    return %c0_i32, %c0_i32_0 : i32, i32
  }
  func.func @transform_6(%arg0: i32) -> (i32, i32) {
    %c0_i32 = arith.constant 0 : i32
    %c0_i32_0 = arith.constant 0 : i32
    %c0_i32_1 = arith.constant 0 : i32
    return %c0_i32, %c0_i32_0 : i32, i32
  }
  func.func @transform_7(%arg0: i32) -> (i32, i32) {
    %c0_i32 = arith.constant 0 : i32
    %c0_i32_0 = arith.constant 0 : i32
    %c0_i32_1 = arith.constant 0 : i32
    return %c0_i32, %c0_i32_0 : i32, i32
  }
  func.func @transform_8(%arg0: i32) -> (i32, i32) {
    %c0_i32 = arith.constant 0 : i32
    %c0_i32_0 = arith.constant 0 : i32
    %c0_i32_1 = arith.constant 0 : i32
    return %c0_i32, %c0_i32_0 : i32, i32
  }
  func.func @transform_9(%arg0: i32) -> (i32, i32) {
    %c0_i32 = arith.constant 0 : i32
    %c0_i32_0 = arith.constant 0 : i32
    %c0_i32_1 = arith.constant 0 : i32
    return %c0_i32, %c0_i32_0 : i32, i32
  }
  func.func @transform_10(%arg0: i32) -> (i32, i32) {
    %c0_i32 = arith.constant 0 : i32
    %c0_i32_0 = arith.constant 0 : i32
    return %arg0, %c0_i32 : i32, i32
  }
  func.func @transform_11(%arg0: i32) -> (i32, i32) {
    %c0_i32 = arith.constant 0 : i32
    %c0_i32_0 = arith.constant 0 : i32
    return %arg0, %c0_i32 : i32, i32
  }
  func.func @transform_12(%arg0: i32) -> (i32, i32) {
    %c0_i32 = arith.constant 0 : i32
    %c0_i32_0 = arith.constant 0 : i32
    return %arg0, %c0_i32 : i32, i32
  }
}

module attributes {stable_mosaic.version = 14 : i64} {
  func.func @_dense2_body(%arg0: i32, %arg1: memref<1024x128xf32, #tpu.memory_space<vmem>>, %arg2: memref<1024x128xf32, #tpu.memory_space<vmem>>, %arg3: memref<1024x1xf32, #tpu.memory_space<vmem>>, %arg4: memref<1024x64xf32, #tpu.memory_space<vmem>>, %arg5: memref<128x64xf32, #tpu.memory_space<vmem>>, %arg6: memref<1024x64xf32, #tpu.memory_space<vmem>>) attributes {dimension_semantics = [#tpu.dimension_semantics<arbitrary>], iteration_bounds = array<i64: 10>, scalar_prefetch = 0 : i64, scratch_operands = 0 : i64, tpu.core_type = #tpu.core_type<tc>, window_params = [{transform_indices = @transform_0, window_bounds = array<i64: 1024, 128>}, {transform_indices = @transform_1, window_bounds = array<i64: 1024, 128>}, {transform_indices = @transform_2, window_bounds = array<i64: 1024, 1>}, {transform_indices = @transform_3, window_bounds = array<i64: 1024, 64>}, {pipeline_mode = #tpu.pipeline_mode<synchronous>, transform_indices = @transform_4, window_bounds = array<i64: 128, 64>}, {transform_indices = @transform_5, window_bounds = array<i64: 1024, 64>}]} {
    %get3A = arith.constant 0 : index
    %get3A_0 = arith.constant 0 : index
    %get3A_1 = vector.load %arg1[%get3A, %get3A_0] : memref<1024x128xf32, #tpu.memory_space<vmem>>, vector<1024x128xf32>
    %get3A_2 = arith.constant 0 : index
    %get3A_3 = arith.constant 0 : index
    %get3A_4 = vector.load %arg2[%get3A_2, %get3A_3] : memref<1024x128xf32, #tpu.memory_space<vmem>>, vector<1024x128xf32>
    %add3A = arith.addf %get3A_1, %get3A_4 : vector<1024x128xf32>
    %get3A_5 = arith.constant 0 : index
    %get3A_6 = arith.constant 0 : index
    %get3A_7 = vector.load %arg3[%get3A_5, %get3A_6] : memref<1024x1xf32, #tpu.memory_space<vmem>>, vector<1024x1xf32>
    %mul3A = vector.broadcast %get3A_7 : vector<1024x1xf32> to vector<1024x128xf32>
    %mul3A_8 = arith.mulf %add3A, %mul3A : vector<1024x128xf32>
    %get3A_9 = arith.constant 0 : index
    %get3A_10 = arith.constant 0 : index
    %get3A_11 = vector.load %arg5[%get3A_9, %get3A_10] : memref<128x64xf32, #tpu.memory_space<vmem>>, vector<128x64xf32>
    %dot_general3A = arith.constant dense<0.000000e+00> : vector<1024x64xf32>
    %dot_general3A_12 = tpu.matmul %mul3A_8, %get3A_11, %dot_general3A {dimension_numbers = #tpu.dot_dimension_numbers<[1], [0], [0], [1], [0, 0, 1, 1], [], []>, transpose_lhs_hint = false} : vector<1024x128xf32>, vector<128x64xf32>, vector<1024x64xf32> -> vector<1024x64xf32>
    %get3A_13 = arith.constant 0 : index
    %get3A_14 = arith.constant 0 : index
    %get3A_15 = vector.load %arg4[%get3A_13, %get3A_14] : memref<1024x64xf32, #tpu.memory_space<vmem>>, vector<1024x64xf32>
    %add3A_16 = arith.addf %dot_general3A_12, %get3A_15 : vector<1024x64xf32>
    %reduce_max3A = arith.constant dense<0xFF800000> : vector<1024xf32>
    %reduce_max3A_17 = vector.multi_reduction <maximumf>, %add3A_16, %reduce_max3A [1] : vector<1024x64xf32> to vector<1024xf32>
    %broadcast_in_dim3A = vector.shape_cast %reduce_max3A_17 : vector<1024xf32> to vector<1024x1xf32>
    %sub3A = vector.broadcast %broadcast_in_dim3A : vector<1024x1xf32> to vector<1024x64xf32>
    %sub3A_18 = arith.subf %add3A_16, %sub3A : vector<1024x64xf32>
    %exp3A = math.exp %sub3A_18 : vector<1024x64xf32>
    %reduce_sum3A = arith.constant dense<0.000000e+00> : vector<1024xf32>
    %reduce_sum3A_19 = vector.multi_reduction <add>, %exp3A, %reduce_sum3A [1] : vector<1024x64xf32> to vector<1024xf32>
    %broadcast_in_dim3A_20 = vector.shape_cast %reduce_sum3A_19 : vector<1024xf32> to vector<1024x1xf32>
    %log3A = math.log %broadcast_in_dim3A_20 : vector<1024x1xf32>
    %sub3A_21 = vector.broadcast %log3A : vector<1024x1xf32> to vector<1024x64xf32>
    %sub3A_22 = arith.subf %sub3A_18, %sub3A_21 : vector<1024x64xf32>
    %swap3A = arith.constant 0 : index
    %swap3A_23 = arith.constant 0 : index
    %swap3A_24 = vector.load %arg6[%swap3A, %swap3A_23] : memref<1024x64xf32, #tpu.memory_space<vmem>>, vector<1024x64xf32>
    tpu.vector_store %arg6[%swap3A, %swap3A_23], %sub3A_22 {strides = array<i32>} : memref<1024x64xf32, #tpu.memory_space<vmem>>, vector<1024x64xf32>,
    return
  }
  func.func @transform_0(%arg0: i32) -> (i32, i32) {
    %c0_i32 = arith.constant 0 : i32
    %c0_i32_0 = arith.constant 0 : i32
    return %arg0, %c0_i32 : i32, i32
  }
  func.func @transform_1(%arg0: i32) -> (i32, i32) {
    %c0_i32 = arith.constant 0 : i32
    %c0_i32_0 = arith.constant 0 : i32
    return %arg0, %c0_i32 : i32, i32
  }
  func.func @transform_2(%arg0: i32) -> (i32, i32) {
    %c0_i32 = arith.constant 0 : i32
    %c0_i32_0 = arith.constant 0 : i32
    return %arg0, %c0_i32 : i32, i32
  }
  func.func @transform_3(%arg0: i32) -> (i32, i32) {
    %c0_i32 = arith.constant 0 : i32
    %c0_i32_0 = arith.constant 0 : i32
    return %arg0, %c0_i32 : i32, i32
  }
  func.func @transform_4(%arg0: i32) -> (i32, i32) {
    %c0_i32 = arith.constant 0 : i32
    %c0_i32_0 = arith.constant 0 : i32
    %c0_i32_1 = arith.constant 0 : i32
    return %c0_i32, %c0_i32_0 : i32, i32
  }
  func.func @transform_5(%arg0: i32) -> (i32, i32) {
    %c0_i32 = arith.constant 0 : i32
    %c0_i32_0 = arith.constant 0 : i32
    return %arg0, %c0_i32 : i32, i32
  }
}

</mosaic_0001>

<sc_bundles>
// kernel: kernel.6.cloned.1.call-start
scs
__scs_entry_jumppad:
0x0: {  	(pc) =	sbr.rel $0x88, $3  }
0x1: {  	(tag) =	ssettag $0x0;
	lr =	simm.s32 $0x1  }
0x2: {  	[smem:$0x3F99] =	sst lr;
	_ =	strace $0xD0000000  }
0x3: {  	_ = 	snop  }
0x4: {  	_ = 	snop  }
0x5: {  	_ = 	snop  }
0x6: {  	_ = 	snop  }
0x7: {  	_ = 	snop  }
__scs_overlays_trampoline_lowered:
0x8: {  	[smem:$0x3FA8] =	sst s0  }
0x9: {  	[smem:$0x3FA9] =	sst s1  }
0xa: {  	[smem:$0x3FAA] =	sst s2  }
0xb: {  	[smem:$0x3FAB] =	sst s3  }
0xc: {  	[smem:$0x3FAC] =	sst s4  }
0xd: {  	[smem:$0x3FAD] =	sst s5  }
0xe: {  	[smem:$0x3FAE] =	sst s6  }
0xf: {  	[smem:$0x3FAF] =	sst s7  }
0x10: {  	[smem:$0x3FB0] =	sst s8  }
0x11: {  	[smem:$0x3FB1] =	sst s9;
	s0 =	simm.s32 @!p0 $0x0  }
0x12: {  	s1 =	sld [smem:$0x3F97];
	s0 =	simm.s32 @p0 $0x1  }
0x13: {  	[smem:$0x3FB2] =	sst s0;
	s0 =	simm.s32 @!p1 $0x0  }
0x14: {  	s2 =	sld [smem:$0x3F96];
	s0 =	simm.s32 @p1 $0x1  }
0x15: {  	[smem:$0x3FB3] =	sst s0;
	s0 =	simm.s32 @!p2 $0x0  }
0x16: {  	s3 =	sld [smem:$0x3FDB];
	s0 =	simm.s32 @p2 $0x1  }
0x17: {  	s4 =	simm.s32 $0x1BF5;
	[smem:$0x3FB5] =	sst s0  }
0x18: {  	s0 =	sld [smem:$0x3F98];
	_ =	swait.ge [sflag:s4], $0x0  }
0x19: {  	s7 =	sld [smem:$0x3F99]  }
0x1a: {  	s8 =	sadd.s32 $0xFFFFE003, lr  }
0x1b: {  	s9 =	sadd.s32 $0xFFFFFEF7, lr;
	s5 =	simm.s32 $0xFFFFFFFF;
	p2 =	slt.u32 s8, $0xFFFFF086  }
0x1c: {  	p1 =	slt.u32 s9, $0xF7A;
	s5 =	simm.s32 @!p2 $0x0  }
0x1d: {  	s5 =	simm.s32 @p1 $0x1;
	p0 =	seq.s32 s7, s2  }
0x1e: {  	s7 =	smul.u32 @!p0 $0xF7A, s2;
	p2 =	seq.s32 @!p0 s5, $0x0  }
0x1f: {  	s9 =	smul.u32 $0xF7A, s1;
	s8 =	simm.s32 @!p0 $0x1BF5;
	p2 =	por !p2, p0  }
0x20: {  	[sflag:s8] =	ssyncset.s32 @!p0 $0xFFFFF086;
	s6 =	sadd.s32 @!p0 s3, s7;
	s7 =	simm.s32 @!p0 $0x108  }
0x21: {  	s3 =	sadd.s32 s3, s9;
	s6 =	sadd.s32 @!p0 $0x88, s6;
	s7 =	simm.s32 @p2 $0x1082  }
0x22: {  	[simem:s7], [sflag:s8] =	dma.local @!p0 [hbm:s6], $0xF7A  }
0x23: {  	s9 =	sor.u32 $0xD0000000, s2;
	s6 =	simm.s32 $0x108;
	_ =	swait.ge @!p0 [sflag:s8], $0x0  }
0x24: {  	s3 =	sadd.s32 $0x88, s3;
	s6 =	simm.s32 @!p1 $0x1082;
	[sflag:s4] =	ssyncset.s32 $0xFFFFF086  }
0x25: {  	[simem:s6], [sflag:s4] =	dma.local [hbm:s3], $0xF7A  }
0x26: {  	[smem:$0x3F99] =	sst s1;
	(tag) =	ssettag s2;
	_ =	strace s9  }
0x27: {  	s1 =	sld [smem:$0x3FA9]  }
0x28: {  	s2 =	sld [smem:$0x3FAA]  }
0x29: {  	s4 =	sld [smem:$0x3FAC]  }
0x2a: {  	p0 =	seq.s32 s5, $0x0;
	s5 =	sld [smem:$0x3FAD]  }
0x2b: {  	s6 =	sld [smem:$0x3FAE]  }
0x2c: {  	s7 =	sld [smem:$0x3FAF]  }
0x2d: {  	s3 =	simm.s32 $0x108;
	s8 =	sld [smem:$0x3FB0]  }
0x2e: {  	s3 =	simm.s32 @!p0 $0x1082;
	s9 =	sld [smem:$0x3FB1]  }
0x2f: {  	lr =	sadd.s32 s0, s3;
	s0 =	sld [smem:$0x3FA8]  }
0x30: {  	s3 =	sld [smem:$0x3FAB]  }
0x31: {  	[smem:$0x3FB4] =	sst s10  }
0x32: {  	s10 =	sld [smem:$0x3FB2];
	_ =	sdelay $0x3  }
0x33: {  	p0 =	seq.s32 s10, $0x1;
	s10 =	sld [smem:$0x3FB4];
	_ =	sdelay $0x3  }
0x34: {  	[smem:$0x3FB4] =	sst s10  }
0x35: {  	s10 =	sld [smem:$0x3FB3];
	_ =	sdelay $0x3  }
0x36: {  	p1 =	seq.s32 s10, $0x1;
	s10 =	sld [smem:$0x3FB4];
	_ =	sdelay $0x3  }
0x37: {  	[smem:$0x3FB4] =	sst s10  }
0x38: {  	s10 =	sld [smem:$0x3FB5]  }
0x39: {  	_ = 	snop;
	(pc) =	sbr.ind lr, $3  }
0x3a: {  	_ = 	snop  }
0x3b: {  	_ = 	snop  }
0x3c: {  	p2 =	seq.s32 s10, $0x1;
	s10 =	sld [smem:$0x3FB4]  }
0x3d: {  	_ =	shalt  }
0x3e: {  	_ =	shalt  }
0x3f: {  	_ =	shalt  }
0x40: {  	_ =	shalt  }
0x41: {  	_ =	shalt  }
0x42: {  	_ =	shalt  }
0x43: {  	_ =	shalt  }
0x44: {  	_ =	shalt  }
0x45: {  	_ =	shalt  }
0x46: {  	_ =	shalt  }
0x47: {  	_ =	shalt  }
0x48: {  	_ =	shalt  }
0x49: {  	_ =	shalt  }
0x4a: {  	_ =	shalt  }
0x4b: {  	_ =	shalt  }
0x4c: {  	_ =	shalt  }
0x4d: {  	_ =	shalt  }
0x4e: {  	_ =	shalt  }
0x4f: {  	_ =	shalt  }
0x50: {  	_ =	shalt  }
0x51: {  	_ =	shalt  }
0x52: {  	_ =	shalt  }
0x53: {  	_ =	shalt  }
0x54: {  	_ =	shalt  }
0x55: {  	_ =	shalt  }
0x56: {  	_ =	shalt  }
0x57: {  	_ =	shalt  }
0x58: {  	_ =	shalt  }
0x59: {  	_ =	shalt  }
0x5a: {  	_ =	shalt  }
0x5b: {  	_ =	shalt  }
0x5c: {  	_ =	shalt  }
0x5d: {  	_ =	shalt  }
0x5e: {  	_ =	shalt  }
0x5f: {  	_ =	shalt  }
0x60: {  	_ =	shalt  }
0x61: {  	_ =	shalt  }
0x62: {  	_ =	shalt  }
0x63: {  	_ =	shalt  }
0x64: {  	_ =	shalt  }
0x65: {  	_ =	shalt  }
0x66: {  	_ =	shalt  }
0x67: {  	_ =	shalt  }
0x68: {  	_ =	shalt  }
0x69: {  	_ =	shalt  }
0x6a: {  	_ =	shalt  }
0x6b: {  	_ =	shalt  }
0x6c: {  	_ =	shalt  }
0x6d: {  	_ =	shalt  }
0x6e: {  	_ =	shalt  }
0x6f: {  	_ =	shalt  }
0x70: {  	_ =	shalt  }
0x71: {  	_ =	shalt  }
0x72: {  	_ =	shalt  }
0x73: {  	_ =	shalt  }
0x74: {  	_ =	shalt  }
0x75: {  	_ =	shalt  }
0x76: {  	_ =	shalt  }
0x77: {  	_ =	shalt  }
0x78: {  	_ =	shalt  }
0x79: {  	_ =	shalt  }
0x7a: {  	_ =	shalt  }
0x7b: {  	_ =	shalt  }
0x7c: {  	_ =	shalt  }
0x7d: {  	_ =	shalt  }
0x7e: {  	_ =	shalt  }
0x7f: {  	_ =	shalt  }
0x80: {  	_ =	shalt  }
0x81: {  	_ =	shalt  }
0x82: {  	_ =	shalt  }
0x83: {  	_ =	shalt  }
0x84: {  	_ =	shalt  }
0x85: {  	_ =	shalt  }
0x86: {  	_ =	shalt  }
0x87: {  	_ =	shalt  }
.Lfunc_end0:
.L_simem_size_0:
called_computation_lowered:
.L_overlay_start_0:
0x88: {  	s2 =	sld [smem:$0x3FD9]  }
0x89: {  	s3 =	sld [smem:$0x3FFE];
	_ =	sdelay $0x1  }
0x8a: {  	s1 =	srdreg.scid  }
0x8b: {  	s0 =	sand.u32 $0x1, s1  }
0x8c: {  	s17 =	sshll.u32 s0, $0xA;
	s2 =	sadd.s32 s3, s2  }
0x8d: {  	s2 =	sadd.s32 s2, s17  }
0x8e: {  	[smem:$0x3FC0] =	sst s2  }
0x8f: {  	_ = 	snop  }
0x90: {  	s2 =	sld [smem:$0x3FD0];
	(tm) =	ssettm $0x1  }
0x91: {  	s18 =	sld [smem:$0x3FFB];
	_ =	sdelay $0x3  }
0x92: {  	_ =	strace s18  }
0x93: {  	s3 =	sld [smem:$0x3FFC];
	_ =	sdelay $0x3  }
0x94: {  	_ =	strace s3  }
0x95: {  	s3 =	sld [smem:$0x3FFD];
	_ =	sdelay $0x3  }
0x96: {  	_ =	strace s3  }
0x97: {  	_ =	strace $0x8FFFFFFF  }
0x98: {  	s19 =	sld [smem:$0x3FDB];
	_ =	sdelay $0x1  }
0x99: {  	s4 =	simm.s32 $_scs_section_size  }
0x9a: {  	s5 =	simm.s32 $_size__tile_overlayer_lowered;
	s6 =	simm.s32 $_tile_overlayer_lowered  }
0x9b: {  	s22 =	simm.s32 $0x1BFF;
	s21 =	sshll.u32 s6, $0x1;
	s3 =	sadd.s32 s4, s19  }
0x9c: {  	s7 =	simm.s32 $0x0;
	s20 =	sshll.u32 s5, $0x1;
	s5 =	sadd.s32 s21, s3  }
0x9d: {  	[timem:s7], [sflag:s22] =	dma.local [hbm:s5], s20  }
0x9e: {  	_ =	swait.ge [sflag:s22], s20  }
0x9f: {  	s4 =	ssub.s32 $0x0, s20;
	[sflag:s22] =	ssyncset.done $0x0  }
0xa0: {  	[sflag:s22] =	ssyncadd.s32 s4;
	_ =	sdelay $0x1  }
0xa1: {  	s23 =	simm.s32 $0x1B8B  }
0xa2: {  	_ =	swait.ge [sflag:s23], $0x1  }
0xa3: {  	[sflag:s23] =	ssyncset.done $0x0  }
0xa4: {  	s25 =	simm.s32 $0x1B8E;
	s24 =	sld [smem:$0x3FFE];
	[sflag:s23] =	ssyncadd.s32 $0xFFFFFFFF  }
0xa5: {  	s26 =	simm.s32 $execute0_lowered;
	[smem:$0x3FD2] =	sst s25  }
0xa6: {  	s5 =	sshll.u32 s26, $0x1;
	_ =	strace $0x80000046;
	[dreg:$0x1] =	wrdreg $0xFFFFFFFF  }
0xa7: {  	s28 =	simm.s32 $_size_execute0_lowered;
	s3 =	sadd.s32 s3, s5;
	[dreg:$0x0] =	wrdreg $0x0  }
0xa8: {  	s5 =	sshll.u32 s28, $0x1;
	[dreg:$0x2] =	wrdreg s3  }
0xa9: {  	[dreg:$0x3] =	wrdreg s5  }
0xaa: {  	[dreg:$0x4] =	wrdreg $0xC0  }
0xab: {  	_ =	task [dreg:s7], $0x5FFFF  }
0xac: {  	[dreg:$0x1] =	wrdreg $0xFFFFFFFF  }
0xad: {  	[dreg:$0x0] =	wrdreg $0x60  }
0xae: {  	[dreg:$0x2] =	wrdreg s24  }
0xaf: {  	[dreg:$0x3] =	wrdreg s2  }
0xb0: {  	[dreg:$0x4] =	wrdreg $0x90000  }
0xb1: {  	[dreg:$0x5] =	wrdreg $0x1D0800  }
0xb2: {  	[dreg:$0x6] =	wrdreg $0x9  }
0xb3: {  	_ =	task.clear_ibuf [dreg:s7], $0x7FFFF;
	_ =	strace $0x90000046  }
0xb4: {  	s29 =	simm.s32 $0x9;
	_ =	strace $0x80000048  }
0xb5: {  	_ =	swait.ge [sflag:s29], $0x1  }
0xb6: {  	[sflag:s29] =	ssyncadd.s32 $0xFFFFFFFF  }
0xb7: {  	_ =	strace $0x90000048  }
0xb8: {  	_ =	sfence  }
0xb9: {  	s30 =	sld [smem:$0x0];
	_ =	sdelay $0x2  }
0xba: {  	s31 =	sshll.u32 s1, $0xD;
	s1 =	sshrl.u32 s1, $0x2  }
0xbb: {  	s3 =	sand.u32 $0x4000, s31;
	s1 =	sadd.s32 s1, s30  }
0xbc: {  	s0 =	sor.u32 s3, s0;
	s1 =	sshll.u32 s1, $0x11  }
0xbd: {  	s0 =	sor.u32 s1, s0  }
0xbe: {  	s0 =	sadd.s32 $0x8F2B, s0  }
0xbf: {  	[sflag:s0] =	ssyncadd.remote.s32 $0x1  }
0xc0: {  	_ =	sfence.sel $0xFFFF  }
0xc1: {  	[dreg:$0x0] =	wrdreg $0xFFFFFFFF;
	(pc) =	sbr.abs _section_cstart, $3  }
0xc2: {  	[dreg:$0x1] =	wrdreg $0xFFFFFFFF  }
0xc3: {  	_ =	task.clear_ibuf [dreg:s7], $0x2FFFF;
	_ =	strace $0x9FFFFFFF  }
0xc4: {  	(tm) =	ssettm $0x7FFFFFFF  }
0xc5: {  	_ =	shalt  }
tec
execute0_lowered:
.L_overlay_start_1:
0x0: {  	(tag) =	ssettag $0x1  }
0x1: {  	s0 =	rddreg [dreg:$0x0]  }
0x2: {  	s1 =	rddreg [dreg:$0x1]  }
0x3: {  	s2 =	rddreg [dreg:$0x2]  }
0x4: {  	s3 =	rddreg [dreg:$0x3]  }
0x5: {  	s4 =	simm.s32 $0x0;
	s16 =	stileid.u32;
	s19 =	srdreg.scid  }
0x6: {  	s30 =	simm.s32 $0x5000;
	s28 =	simm.s32 $0x2;
	s31 =	simm.s32 $0x0  }
0x7: {  	[smem:$0x7FF] =	sst s4;
	s6 =	sadd.s32 $0xC600, s0;
	s7 =	sadd.s32 $0x2600, s0  }
0x8: {  	s5 =	sadd.s32 $0x34600, s0;
	s17 =	sadd.s32 $0x36E00, s0;
	s18 =	sadd.s32 $0x37000, s0  }
0x9: {  	s8 =	smul.u32 $0x50, s16;
	s9 =	sadd.s32 $0x37E00, s0;
	s10 =	sadd.s32 $0x5FE00, s0  }
0xa: {  	s11 =	sadd.s32 $0x37200, s0;
	s0 =	sadd.s32 $0x37800, s0;
	s14 =	smul.u32 $0x50000, s16  }
0xb: {  	s21 =	smul.u32 $0x280, s16;
	_ =	strace $0x80000047;
	[dreg:$0x6] =	wrdreg s5  }
0xc: {  	s23 =	sshll.u32 s16, $0x6;
	[dreg:$0x7] =	wrdreg s17;
	s5 =	sand.u32 $0x1, s19  }
0xd: {  	s25 =	smul.u32 $0x2800, s16;
	[dreg:$0x8] =	wrdreg s18;
	p0 =	seq.s32 s5, $0x0  }
0xe: {  	s12 =	sadd.s32 $0x500, s8;
	s5 =	ssub.s32 $0x2, s5;
	s14 =	sshrl.u32 s14, $0x2  }
0xf: {  	s24 =	sadd.s32 s21, s3;
	s12 =	smov.u32 @p0 s8;
	s20 =	sshrl.u32 s5, $0x1  }
0x10: {  	s14 =	sadd.s32 s14, s2;
	[dreg:$0xc] =	wrdreg s24;
	s8 =	sshrl.u32 s21, $0x3  }
0x11: {  	s10 =	smov.u32 @p0 s9;
	s0 =	smov.u32 @p0 s11;
	s21 =	simm.s32 $0x800  }
0x12: {  	s13 =	sshll.u32 s12, $0x4;
	[dreg:$0xb] =	wrdreg s14;
	s12 =	sshrl.u32 s12, $0x3  }
0x13: {  	s24 =	simm.s32 $0x3;
	s29 =	sadd.s32 s10, s25;
	[dreg:$0x5] =	wrdreg s12  }
0x14: {  	s5 =	ssub.s32 s5, s20;
	s0 =	sadd.s32 s0, s8;
	[dreg:$0x10] =	wrdreg s29  }
0x15: {  	s14 =	sor.u32 $0x1C05, s23;
	s15 =	sadd.s32 s7, s13;
	[dreg:$0x11] =	wrdreg s0  }
0x16: {  	s23 =	simm.s32 $0x1D000;
	s22 =	sadd.s32 s1, s13;
	[dreg:$0x9] =	wrdreg s15  }
0x17: {  	s5 =	smax.u32 s5, $0x1;
	s26 =	sor.u32 $0x80, s13;
	[dreg:$0xa] =	wrdreg s22  }
0x18: {  	s25 =	simm.s32 $0x80;
	[dreg:$0xd] =	wrdreg s5;
	s13 =	sadd.s32 s7, s26  }
0x19: {  	s0 =	simm.s32 $0x1;
	s5 =	sadd.s32 s1, s26;
	[dreg:$0xe] =	wrdreg s13  }
0x1a: {  	s22 =	simm.s32 $0x5;
	[dreg:$0xf] =	wrdreg s5;
	s5 =	simm.s32 $0x4  }
.LBB2_1:
0x1b: {  	s8 =	rddreg [dreg:$0x9]  }
0x1c: {  	s20 =	rddreg [dreg:$0xa]  }
0x1d: {  	s26 =	rddreg [dreg:$0xb]  }
0x1e: {  	[tilespmem:s4], [sflag:$0x3] =	stream.linear.gather [hbm4b:s8+s4], $0x400, $0x38;
	[tilespmem:$0x1D300] =	vst v63  }
0x1f: {  	s9 =	rddreg [dreg:$0x6];
	s29 =	sshrl.u32 s26, $0x3  }
0x20: {  	[tilespmem:s21], [sflag:$0x3] =	stream.linear.gather [hbm4b:s20+s4], $0x400, $0x38;
	[tilespmem:$0x1D300] =	vst v63  }
0x21: {  	[spmem:s29], [sflag:s14] =	dma.local [hbm:s9], $0x2800  }
0x22: {  	_ =	swait.ge [sflag:s22], $0x2800  }
0x23: {  	[sflag:s22] =	ssyncset.done $0x0;
	s10 =	rddreg [dreg:$0xc]  }
0x24: {  	s9 =	rddreg [dreg:$0x7];
	[sflag:s22] =	ssyncadd.s32 $0xFFFFD800;
	s8 =	sshrl.u32 s10, $0x3  }
0x25: {  	[spmem:s8], [sflag:s14] =	dma.local [hbm:s9], $0x50  }
0x26: {  	_ =	swait.ge [sflag:s22], $0x50  }
0x27: {  	[sflag:s22] =	ssyncset.done $0x0  }
0x28: {  	s11 =	rddreg [dreg:$0x8];
	[sflag:s22] =	ssyncadd.s32 $0xFFFFFFB0  }
0x29: {  	[tilespmem:s23], [sflag:$0x5] =	stream.linear.gather [hbm4b:s11+s4], $0x80, $0x38;
	[tilespmem:$0x1D300] =	vst v63  }
0x2a: {  	_ =	swait.ge [sflag:s22], $0x80  }
0x2b: {  	[sflag:s22] =	ssyncset.done $0x0  }
0x2c: {  	[sflag:s22] =	ssyncadd.s32 $0xFFFFFF80  }
0x2d: {  	[bflag:$0x0] =	sbarrier.arrive $0xFFFF  }
0x2e: {  	_ =	swait.ge [sflag:s24], $0x400  }
0x2f: {  	[sflag:s24] =	ssyncset.done $0x0  }
0x30: {  	[sflag:s24] =	ssyncadd.s32 $0xFFFFFC00  }
0x31: {  	_ =	swait.ge [sflag:s24], $0x400  }
0x32: {  	[sflag:s24] =	ssyncset.done $0x0  }
0x33: {  	s10 =	simm.s32 $0x1000;
	[sflag:s24] =	ssyncadd.s32 $0xFFFFFC00  }
0x34: {  	[tilespmem:s10], [sflag:$0x1] =	stream.indirect.gather [hbm4b:s6+s25], $0x80, s4, s25, $0xb8;
	[tilespmem:$0x1D300] =	vst v63  }
0x35: {  	_ = 	snop  }
0x36: {  	[spmem:s3] =	stream.indirect.scatter.add.f32 [tilespmem:s23], [sflag:$0x4], $0x1, s21, s25, $0xb8;
	[tilespmem:$0x1D300] =	vst v63  }
0x37: {  	s11 =	simm.s32 $0x400;
	s12 =	rddreg [dreg:$0xe]  }
0x38: {  	[tilespmem:s11], [sflag:$0x3] =	stream.linear.gather [hbm4b:s12+s4], $0x400, $0x38;
	[tilespmem:$0x1D300] =	vst v63  }
0x39: {  	s15 =	simm.s32 $0xC00;
	s13 =	rddreg [dreg:$0xf]  }
0x3a: {  	[tilespmem:s15], [sflag:$0x3] =	stream.linear.gather [hbm4b:s13+s4], $0x400, $0x38;
	[tilespmem:$0x1D300] =	vst v63  }
0x3b: {  	_ = 	snop  }
0x3c: {  	[tilespmem:s30], [sflag:$0x1] =	stream.indirect.gather [hbm4b:s6+s25], $0x80, s25, s25, $0xb8;
	[tilespmem:$0x1D300] =	vst v63  }
0x3d: {  	s16 =	simm.s32 $0x880  }
0x3e: {  	[spmem:s3] =	stream.indirect.scatter.add.f32 [tilespmem:s23], [sflag:$0x4], $0x1, s16, s25, $0xb8;
	[tilespmem:$0x1D300] =	vst v63  }
0x3f: {  	_ =	swait.ge [sflag:s0], $0x4000  }
0x40: {  	[sflag:s0] =	ssyncset.done $0x0  }
0x41: {  	p0 =	por $0x1, $0x1;
	s9 =	sand.u32 $0x7, s28;
	[sflag:s0] =	ssyncadd.s32 $0xFFFFC000  }
0x42: {  	[spmem:s2] =	stream.indirect.scatter.add.f32 [tilespmem:s10], [sflag:$0x2], $0x80, s21, s25, $0xb8;
	[tilespmem:$0x1D300] =	vst v63  }
0x43: {  	p1 =	sne.s32 @!p0 s9, $0x0;
	_ =	swait.ge [sflag:s5], $0x80  }
0x44: {  	p0 =	por p1, p0;
	[sflag:s5] =	ssyncset.done $0x0  }
0x45: {  	s10 =	simm.s32 @!p0 $0x3;
	[sflag:s5] =	ssyncadd.s32 $0xFFFFFF80  }
0x46: {  	_ =	swait.ge @!p0 [sflag:s10], $0x400  }
0x47: {  	[sflag:s10] =	ssyncset.done @!p0 $0x0  }
0x48: {  	s17 =	simm.s32 $0x20000;
	s18 =	simm.s32 $0x0;
	[sflag:s10] =	ssyncadd.s32 @!p0 $0xFFFFFC00  }
0x49: {  	s19 =	simm.s32 $0x10000;
	p2 =	por $0x1, $0x1;
	_ =	swait.ge @!p0 [sflag:s10], $0x400  }
0x4a: {  	s20 =	simm.s32 $0x200;
	s11 =	sand.u32 $0x10000, s17;
	[sflag:s10] =	ssyncset.done @!p0 $0x0  }
0x4b: {  	s12 =	sshll.u32 s9, $0x7;
	s11 =	sshrl.u32 s11, $0x2;
	[sflag:s10] =	ssyncadd.s32 @!p0 $0xFFFFFC00  }
0x4c: {  	s11 =	sor.u32 $0x1000, s11;
	p0 =	por $0x0, $0x0;
	_ =	swait.ge [sflag:s28], $0x4000  }
0x4d: {  	s10 =	sand.u32 $0x400, s18;
	p1 =	sne.s32 @!p0 s9, $0x0;
	[sflag:s28] =	ssyncset.done $0x0  }
0x4e: {  	s10 =	sor.u32 s12, s10;
	p1 =	por p1, p0;
	[sflag:s28] =	ssyncadd.s32 $0xFFFFC000  }
0x4f: {  	[tilespmem:s11], [sflag:$0x1] =	stream.indirect.gather [hbm4b:s6+s25], $0x80, s10, s25, $0xb8;
	[tilespmem:$0x1D300] =	vst v63  }
0x50: {  	s13 =	simm.s32 $0x40000;
	s9 =	simm.s32 @!p1 $0x400;
	s10 =	sor.u32 $0x800, s10  }
0x51: {  	[spmem:s3] =	stream.indirect.scatter.add.f32 [tilespmem:s23], [sflag:$0x4], $0x1, s10, s25, $0xb8;
	[tilespmem:$0x1D300] =	vst v63  }
0x52: {  	s11 =	sand.u32 $0x10000, s19;
	s10 =	sand.u32 $0x1E00, s20;
	_ =	swait.ge [sflag:s0], $0x4000  }
0x53: {  	s11 =	sshrl.u32 s11, $0x2;
	s10 =	sshrl.u32 s10, $0x2;
	[sflag:s0] =	ssyncset.done $0x0  }
0x54: {  	s11 =	sor.u32 $0x1000, s11;
	s26 =	sor.u32 $0x800, s10;
	[sflag:s0] =	ssyncadd.s32 $0xFFFFC000  }
0x55: {  	[spmem:s2] =	stream.indirect.scatter.add.f32 [tilespmem:s11], [sflag:$0x2], $0x80, s26, s25, $0xb8;
	[tilespmem:$0x1D300] =	vst v63  }
0x56: {  	s18 =	sand.u32 @!p1 $0x400, s9;
	s9 =	simm.s32 $0x3;
	_ =	swait.ge [sflag:s5], $0x80  }
0x57: {  	s16 =	simm.s32 @!p1 $0x0;
	s12 =	sand.u32 $0x7, s9;
	s11 =	rddreg [dreg:$0x5]  }
0x58: {  	s17 =	sor.u32 @!p1 $0x800, s18;
	p3 =	sne.s32 @!p2 s12, $0x0;
	s15 =	sadd.s32 @!p1 $0x1, s11  }
0x59: {  	s10 =	simm.s32 $0x30000;
	[sflag:s5] =	ssyncset.done $0x0;
	s19 =	sshll.u32 @!p1 s15, $0x7  }
0x5a: {  	s11 =	simm.s32 $0x400;
	s15 =	sshll.u32 s12, $0x7;
	s19 =	sand.u32 @!p1 $0x1FFFFF80, s19  }
.LBB2_2:
0x5b: {  	p2 =	por p3, p2;
	[sflag:s5] =	ssyncadd.s32 $0xFFFFFF80;
	s20 =	sadd.s32 @!p1 s7, s19  }
0x5c: {  	[tilespmem:s18], [sflag:$0x3] =	stream.linear.gather @!p1 [hbm4b:s20+s16], $0x400, $0x38;
	[tilespmem:$0x1D300] =	vst v63  }
0x5d: {  	s19 =	sadd.s32 @!p1 s1, s19;
	s18 =	simm.s32 @!p2 $0x3  }
0x5e: {  	[tilespmem:s17], [sflag:$0x3] =	stream.linear.gather @!p1 [hbm4b:s19+s16], $0x400, $0x38;
	[tilespmem:$0x1D300] =	vst v63  }
0x5f: {  	_ =	swait.ge @!p2 [sflag:s18], $0x400  }
0x60: {  	s26 =	smov.u32 s13;
	s13 =	sadd.s32 $0x10000, s13;
	[sflag:s18] =	ssyncset.done @!p2 $0x0  }
0x61: {  	p0 =	sne.s32 s13, $0x500000;
	s20 =	sand.u32 $0x10000, s10;
	[sflag:s18] =	ssyncadd.s32 @!p2 $0xFFFFFC00  }
0x62: {  	s16 =	sshrl.u32 s9, $0x3;
	p1 =	sgt.u32 s9, $0x47;
	_ =	swait.ge @!p2 [sflag:s18], $0x400  }
0x63: {  	s9 =	sadd.s32 $0x1, s9;
	s19 =	sshll.u32 s16, $0xA;
	[sflag:s18] =	ssyncset.done @!p2 $0x0  }
0x64: {  	s17 =	sand.u32 $0x400, s19;
	s19 =	sshrl.u32 s20, $0x2;
	[sflag:s18] =	ssyncadd.s32 @!p2 $0xFFFFFC00  }
0x65: {  	s15 =	sor.u32 s15, s17;
	s17 =	sor.u32 $0x1000, s19;
	_ =	swait.ge [sflag:s28], $0x4000  }
0x66: {  	s19 =	sadd.s32 $0xFFFF0000, s10;
	p2 =	sne.s32 @!p1 s12, $0x0;
	[sflag:s28] =	ssyncset.done $0x0  }
0x67: {  	s10 =	smov.u32 s26;
	p1 =	por p2, p1;
	[sflag:s28] =	ssyncadd.s32 $0xFFFFC000  }
0x68: {  	[tilespmem:s17], [sflag:$0x1] =	stream.indirect.gather [hbm4b:s6+s25], $0x80, s15, s25, $0xb8;
	[tilespmem:$0x1D300] =	vst v63  }
0x69: {  	s20 =	sor.u32 $0x800, s15;
	p2 =	slt.u32 s9, $0x8;
	s12 =	sadd.s32 @!p1 $0x1, s16  }
0x6a: {  	[spmem:s3] =	stream.indirect.scatter.add.f32 [tilespmem:s23], [sflag:$0x4], $0x1, s20, s25, $0xb8;
	[tilespmem:$0x1D300] =	vst v63  }
0x6b: {  	s15 =	sand.u32 $0x10000, s19;
	s20 =	sand.u32 $0x1E00, s11;
	_ =	swait.ge [sflag:s0], $0x4000  }
0x6c: {  	s15 =	sshrl.u32 s15, $0x2;
	s17 =	sshrl.u32 s20, $0x2;
	[sflag:s0] =	ssyncset.done $0x0  }
0x6d: {  	s15 =	sor.u32 $0x1000, s15;
	s26 =	sor.u32 $0x800, s17;
	[sflag:s0] =	ssyncadd.s32 $0xFFFFC000  }
0x6e: {  	[spmem:s2] =	stream.indirect.scatter.add.f32 [tilespmem:s15], [sflag:$0x2], $0x80, s26, s25, $0xb8;
	[tilespmem:$0x1D300] =	vst v63  }
.Ltmp0:
0x6f: {  	s17 =	sshll.u32 @!p1 s12, $0xA;
	_ =	swait.ge [sflag:s5], $0x80;
	(pc) =	sbr.rel @p0 .LBB2_2-.Ltmp0, $4  }
0x70: {  	s16 =	simm.s32 @!p1 $0x0;
	s18 =	sand.u32 @!p1 $0x400, s17;
	s15 =	rddreg [dreg:$0x5]  }
0x71: {  	s11 =	sadd.s32 $0x200, s11;
	s17 =	sor.u32 @!p1 $0x800, s18;
	s15 =	sadd.s32 @!p1 s15, s12  }
0x72: {  	[sflag:s5] =	ssyncset.done $0x0;
	s12 =	sand.u32 $0x7, s9;
	s19 =	sshll.u32 @!p1 s15, $0x7  }
0x73: {  	p3 =	sne.s32 @!p2 s12, $0x0;
	s15 =	sshll.u32 s12, $0x7;
	s19 =	sand.u32 @!p1 $0x1FFFFF80, s19  }
0x74: {  	[sflag:s5] =	ssyncadd.s32 $0xFFFFFF80;
	s13 =	sadd.s32 @!p1 s7, s19  }
0x75: {  	[tilespmem:s18], [sflag:$0x3] =	stream.linear.gather @!p1 [hbm4b:s13+s16], $0x400, $0x38;
	[tilespmem:$0x1D300] =	vst v63  }
0x76: {  	p0 =	por p3, p2;
	s13 =	sadd.s32 @!p1 s1, s19  }
0x77: {  	[tilespmem:s17], [sflag:$0x3] =	stream.linear.gather @!p1 [hbm4b:s13+s16], $0x400, $0x38;
	[tilespmem:$0x1D300] =	vst v63  }
0x78: {  	s13 =	simm.s32 @!p0 $0x3  }
0x79: {  	_ =	swait.ge @!p0 [sflag:s13], $0x400  }
0x7a: {  	[sflag:s13] =	ssyncset.done @!p0 $0x0  }
0x7b: {  	[sflag:s13] =	ssyncadd.s32 @!p0 $0xFFFFFC00  }
0x7c: {  	_ =	swait.ge @!p0 [sflag:s13], $0x400  }
0x7d: {  	[sflag:s13] =	ssyncset.done @!p0 $0x0  }
0x7e: {  	s26 =	sand.u32 $0x10000, s10;
	s16 =	sshrl.u32 s9, $0x3;
	[sflag:s13] =	ssyncadd.s32 @!p0 $0xFFFFFC00  }
0x7f: {  	s11 =	sand.u32 $0x1E00, s11;
	s20 =	sshll.u32 s16, $0xA;
	_ =	swait.ge [sflag:s28], $0x4000  }
0x80: {  	s17 =	sshrl.u32 s26, $0x2;
	s13 =	sand.u32 $0x400, s20;
	[sflag:s28] =	ssyncset.done $0x0  }
0x81: {  	s17 =	sor.u32 $0x1000, s17;
	s13 =	sor.u32 s15, s13;
	[sflag:s28] =	ssyncadd.s32 $0xFFFFC000  }
0x82: {  	[tilespmem:s17], [sflag:$0x1] =	stream.indirect.gather [hbm4b:s6+s25], $0x80, s13, s25, $0xb8;
	[tilespmem:$0x1D300] =	vst v63  }
0x83: {  	s18 =	sadd.s32 $0xFFFF0000, s10;
	s11 =	sshrl.u32 s11, $0x2;
	s13 =	sor.u32 $0x800, s13  }
0x84: {  	[spmem:s3] =	stream.indirect.scatter.add.f32 [tilespmem:s23], [sflag:$0x4], $0x1, s13, s25, $0xb8;
	[tilespmem:$0x1D300] =	vst v63  }
0x85: {  	s10 =	sand.u32 $0x10000, s18;
	s11 =	sor.u32 $0x800, s11;
	_ =	swait.ge [sflag:s0], $0x4000  }
0x86: {  	s10 =	sshrl.u32 s10, $0x2;
	p0 =	sgt.u32 s9, $0x47;
	[sflag:s0] =	ssyncset.done $0x0  }
0x87: {  	s10 =	sor.u32 $0x1000, s10;
	p1 =	sne.s32 @!p0 s12, $0x0;
	[sflag:s0] =	ssyncadd.s32 $0xFFFFC000  }
0x88: {  	[spmem:s2] =	stream.indirect.scatter.add.f32 [tilespmem:s10], [sflag:$0x2], $0x80, s11, s25, $0xb8;
	[tilespmem:$0x1D300] =	vst v63  }
0x89: {  	p0 =	por p1, p0;
	_ =	swait.ge [sflag:s5], $0x80  }
0x8a: {  	s10 =	sadd.s32 @!p0 $0x1, s16;
	s9 =	rddreg [dreg:$0x5]  }
0x8b: {  	s9 =	sadd.s32 @!p0 s9, s10  }
0x8c: {  	s11 =	simm.s32 @!p0 $0x0;
	s9 =	sshll.u32 @!p0 s9, $0x7  }
0x8d: {  	[sflag:s5] =	ssyncset.done $0x0;
	s10 =	sshll.u32 @!p0 s10, $0xA;
	s9 =	sand.u32 @!p0 $0x1FFFFF80, s9  }
0x8e: {  	[sflag:s5] =	ssyncadd.s32 $0xFFFFFF80;
	s10 =	sand.u32 @!p0 $0x400, s10;
	s12 =	sadd.s32 @!p0 s7, s9  }
0x8f: {  	[tilespmem:s10], [sflag:$0x3] =	stream.linear.gather @!p0 [hbm4b:s12+s11], $0x400, $0x38;
	[tilespmem:$0x1D300] =	vst v63  }
0x90: {  	s9 =	sadd.s32 @!p0 s1, s9;
	s10 =	sor.u32 @!p0 $0x800, s10  }
0x91: {  	[tilespmem:s10], [sflag:$0x3] =	stream.linear.gather @!p0 [hbm4b:s9+s11], $0x400, $0x38;
	[tilespmem:$0x1D300] =	vst v63  }
0x92: {  	_ =	swait.ge [sflag:s0], $0x4000  }
0x93: {  	[sflag:s0] =	ssyncset.done $0x0  }
0x94: {  	s19 =	simm.s32 $0xF80;
	[sflag:s0] =	ssyncadd.s32 $0xFFFFC000  }
0x95: {  	[spmem:s2] =	stream.indirect.scatter.add.f32 [tilespmem:s30], [sflag:$0x2], $0x80, s19, s25, $0xb8;
	[tilespmem:$0x1D300] =	vst v63  }
0x96: {  	_ =	swait.ge [sflag:s28], $0x4000  }
0x97: {  	[sflag:s28] =	ssyncset.done $0x0  }
0x98: {  	[sflag:s28] =	ssyncadd.s32 $0xFFFFC000  }
0x99: {  	_ =	swait.ge [sflag:s28], $0x4000  }
0x9a: {  	[sflag:s28] =	ssyncset.done $0x0  }
0x9b: {  	[sflag:s28] =	ssyncadd.s32 $0xFFFFC000  }
0x9c: {  	_ =	swait.ge [sflag:s5], $0x80  }
0x9d: {  	[sflag:s5] =	ssyncset.done $0x0  }
0x9e: {  	[sflag:s5] =	ssyncadd.s32 $0xFFFFFF80  }
0x9f: {  	[bflag:$0x0] =	sbarrier.arrive $0xFFFF  }
0xa0: {  	s20 =	rddreg [dreg:$0x10]  }
0xa1: {  	[hbm:s20], [sflag:s14] =	dma.local [spmem:s29], $0x2800  }
0xa2: {  	_ =	swait.ge [sflag:s22], $0x2800  }
0xa3: {  	[sflag:s22] =	ssyncset.done $0x0  }
0xa4: {  	s26 =	rddreg [dreg:$0x11];
	[sflag:s22] =	ssyncadd.s32 $0xFFFFD800  }
0xa5: {  	[hbm:s26], [sflag:s14] =	dma.local [spmem:s8], $0x50  }
0xa6: {  	_ =	swait.ge [sflag:s22], $0x50  }
0xa7: {  	s31 =	sadd.s32 $0x1, s31;
	s29 =	rddreg [dreg:$0xd]  }
0xa8: {  	p0 =	sne.s32 s31, s29  }
.Ltmp1:
0xa9: {  	_ = 	snop;
	(pc) =	sbr.rel @p0 .LBB2_1-.Ltmp1, $3  }
0xaa: {  	_ =	sdelay $0x1  }
0xab: {  	[sflag:s22] =	ssyncset.done $0x0  }
0xac: {  	[sflag:s22] =	ssyncadd.s32 $0xFFFFFFB0  }
0xad: {  	_ =	sfence.sel $0x180000  }
0xae: {  	[bflag:$0x0] =	sbarrier.arrive $0xFFFF  }
0xaf: {  	_ =	strace $0x90000047  }
0xb0: {  	s0 =	stileid.u32;
	[bflag:$0x2] =	sbarrier.arrive $0xFFFF  }
0xb1: {  	p0 =	sne.s32 s0, $0x0;
	s0 =	rddreg [dreg:$0x4]  }
0xb2: {  	s0 =	sadd.s32 @!p0 $0x100000, s0  }
0xb3: {  	[sflag:s0] =	ssyncadd.tile.s32 @!p0 $0x1;
	_ =	shalt  }
.Lfunc_end2:
_tile_overlayer_lowered:
.L_overlay_start_2:
0xb4: {  	(tag) =	ssettag $0x2  }
0xb5: {  	s0 =	rddreg [dreg:$0x0];
	s2 =	stileid.u32  }
0xb6: {  	s1 =	rddreg [dreg:$0x1];
	p0 =	sne.s32 s2, $0x0  }
0xb7: {  	s3 =	rddreg [dreg:$0x2];
	[bflag:$0x3] =	sbarrier.arrive $0xFFFF;
	s2 =	simm.s32 @!p0 $0x1C05  }
0xb8: {  	[timem:s3], [sflag:s2] =	dma.local @!p0 [hbm:s0], s1  }
0xb9: {  	s0 =	simm.s32 @!p0 $0x5  }
0xba: {  	_ =	swait.ge @!p0 [sflag:s0], s1  }
0xbb: {  	s1 =	ssub.s32 @!p0 $0x0, s1;
	[sflag:s0] =	ssyncset.done @!p0 $0x0  }
0xbc: {  	[sflag:s0] =	ssyncadd.s32 @!p0 s1  }
0xbd: {  	[bflag:$0x3] =	sbarrier.arrive $0xFFFF  }
0xbe: {  	_ =	shalt  }

// kernel: kernel.9.cloned.1.call-start
scs
__scs_entry_jumppad:
0x0: {  	(pc) =	sbr.rel $0x88, $3  }
0x1: {  	(tag) =	ssettag $0x0;
	lr =	simm.s32 $0x1  }
0x2: {  	[smem:$0x3F99] =	sst lr;
	_ =	strace $0xD0000000  }
0x3: {  	_ = 	snop  }
0x4: {  	_ = 	snop  }
0x5: {  	_ = 	snop  }
0x6: {  	_ = 	snop  }
0x7: {  	_ = 	snop  }
__scs_overlays_trampoline_lowered:
0x8: {  	[smem:$0x3FA8] =	sst s0  }
0x9: {  	[smem:$0x3FA9] =	sst s1  }
0xa: {  	[smem:$0x3FAA] =	sst s2  }
0xb: {  	[smem:$0x3FAB] =	sst s3  }
0xc: {  	[smem:$0x3FAC] =	sst s4  }
0xd: {  	[smem:$0x3FAD] =	sst s5  }
0xe: {  	[smem:$0x3FAE] =	sst s6  }
0xf: {  	[smem:$0x3FAF] =	sst s7  }
0x10: {  	[smem:$0x3FB0] =	sst s8  }
0x11: {  	[smem:$0x3FB1] =	sst s9;
	s0 =	simm.s32 @!p0 $0x0  }
0x12: {  	s1 =	sld [smem:$0x3F97];
	s0 =	simm.s32 @p0 $0x1  }
0x13: {  	[smem:$0x3FB2] =	sst s0;
	s0 =	simm.s32 @!p1 $0x0  }
0x14: {  	s2 =	sld [smem:$0x3F96];
	s0 =	simm.s32 @p1 $0x1  }
0x15: {  	[smem:$0x3FB3] =	sst s0;
	s0 =	simm.s32 @!p2 $0x0  }
0x16: {  	s3 =	sld [smem:$0x3FDB];
	s0 =	simm.s32 @p2 $0x1  }
0x17: {  	s4 =	simm.s32 $0x1BF5;
	[smem:$0x3FB5] =	sst s0  }
0x18: {  	s0 =	sld [smem:$0x3F98];
	_ =	swait.ge [sflag:s4], $0x0  }
0x19: {  	s7 =	sld [smem:$0x3F99]  }
0x1a: {  	s8 =	sadd.s32 $0xFFFFE003, lr  }
0x1b: {  	s9 =	sadd.s32 $0xFFFFFEF7, lr;
	s5 =	simm.s32 $0xFFFFFFFF;
	p2 =	slt.u32 s8, $0xFFFFF086  }
0x1c: {  	p1 =	slt.u32 s9, $0xF7A;
	s5 =	simm.s32 @!p2 $0x0  }
0x1d: {  	s5 =	simm.s32 @p1 $0x1;
	p0 =	seq.s32 s7, s2  }
0x1e: {  	s7 =	smul.u32 @!p0 $0xF7A, s2;
	p2 =	seq.s32 @!p0 s5, $0x0  }
0x1f: {  	s9 =	smul.u32 $0xF7A, s1;
	s8 =	simm.s32 @!p0 $0x1BF5;
	p2 =	por !p2, p0  }
0x20: {  	[sflag:s8] =	ssyncset.s32 @!p0 $0xFFFFF086;
	s6 =	sadd.s32 @!p0 s3, s7;
	s7 =	simm.s32 @!p0 $0x108  }
0x21: {  	s3 =	sadd.s32 s3, s9;
	s6 =	sadd.s32 @!p0 $0x88, s6;
	s7 =	simm.s32 @p2 $0x1082  }
0x22: {  	[simem:s7], [sflag:s8] =	dma.local @!p0 [hbm:s6], $0xF7A  }
0x23: {  	s9 =	sor.u32 $0xD0000000, s2;
	s6 =	simm.s32 $0x108;
	_ =	swait.ge @!p0 [sflag:s8], $0x0  }
0x24: {  	s3 =	sadd.s32 $0x88, s3;
	s6 =	simm.s32 @!p1 $0x1082;
	[sflag:s4] =	ssyncset.s32 $0xFFFFF086  }
0x25: {  	[simem:s6], [sflag:s4] =	dma.local [hbm:s3], $0xF7A  }
0x26: {  	[smem:$0x3F99] =	sst s1;
	(tag) =	ssettag s2;
	_ =	strace s9  }
0x27: {  	s1 =	sld [smem:$0x3FA9]  }
0x28: {  	s2 =	sld [smem:$0x3FAA]  }
0x29: {  	s4 =	sld [smem:$0x3FAC]  }
0x2a: {  	p0 =	seq.s32 s5, $0x0;
	s5 =	sld [smem:$0x3FAD]  }
0x2b: {  	s6 =	sld [smem:$0x3FAE]  }
0x2c: {  	s7 =	sld [smem:$0x3FAF]  }
0x2d: {  	s3 =	simm.s32 $0x108;
	s8 =	sld [smem:$0x3FB0]  }
0x2e: {  	s3 =	simm.s32 @!p0 $0x1082;
	s9 =	sld [smem:$0x3FB1]  }
0x2f: {  	lr =	sadd.s32 s0, s3;
	s0 =	sld [smem:$0x3FA8]  }
0x30: {  	s3 =	sld [smem:$0x3FAB]  }
0x31: {  	[smem:$0x3FB4] =	sst s10  }
0x32: {  	s10 =	sld [smem:$0x3FB2];
	_ =	sdelay $0x3  }
0x33: {  	p0 =	seq.s32 s10, $0x1;
	s10 =	sld [smem:$0x3FB4];
	_ =	sdelay $0x3  }
0x34: {  	[smem:$0x3FB4] =	sst s10  }
0x35: {  	s10 =	sld [smem:$0x3FB3];
	_ =	sdelay $0x3  }
0x36: {  	p1 =	seq.s32 s10, $0x1;
	s10 =	sld [smem:$0x3FB4];
	_ =	sdelay $0x3  }
0x37: {  	[smem:$0x3FB4] =	sst s10  }
0x38: {  	s10 =	sld [smem:$0x3FB5]  }
0x39: {  	_ = 	snop;
	(pc) =	sbr.ind lr, $3  }
0x3a: {  	_ = 	snop  }
0x3b: {  	_ = 	snop  }
0x3c: {  	p2 =	seq.s32 s10, $0x1;
	s10 =	sld [smem:$0x3FB4]  }
0x3d: {  	_ =	shalt  }
0x3e: {  	_ =	shalt  }
0x3f: {  	_ =	shalt  }
0x40: {  	_ =	shalt  }
0x41: {  	_ =	shalt  }
0x42: {  	_ =	shalt  }
0x43: {  	_ =	shalt  }
0x44: {  	_ =	shalt  }
0x45: {  	_ =	shalt  }
0x46: {  	_ =	shalt  }
0x47: {  	_ =	shalt  }
0x48: {  	_ =	shalt  }
0x49: {  	_ =	shalt  }
0x4a: {  	_ =	shalt  }
0x4b: {  	_ =	shalt  }
0x4c: {  	_ =	shalt  }
0x4d: {  	_ =	shalt  }
0x4e: {  	_ =	shalt  }
0x4f: {  	_ =	shalt  }
0x50: {  	_ =	shalt  }
0x51: {  	_ =	shalt  }
0x52: {  	_ =	shalt  }
0x53: {  	_ =	shalt  }
0x54: {  	_ =	shalt  }
0x55: {  	_ =	shalt  }
0x56: {  	_ =	shalt  }
0x57: {  	_ =	shalt  }
0x58: {  	_ =	shalt  }
0x59: {  	_ =	shalt  }
0x5a: {  	_ =	shalt  }
0x5b: {  	_ =	shalt  }
0x5c: {  	_ =	shalt  }
0x5d: {  	_ =	shalt  }
0x5e: {  	_ =	shalt  }
0x5f: {  	_ =	shalt  }
0x60: {  	_ =	shalt  }
0x61: {  	_ =	shalt  }
0x62: {  	_ =	shalt  }
0x63: {  	_ =	shalt  }
0x64: {  	_ =	shalt  }
0x65: {  	_ =	shalt  }
0x66: {  	_ =	shalt  }
0x67: {  	_ =	shalt  }
0x68: {  	_ =	shalt  }
0x69: {  	_ =	shalt  }
0x6a: {  	_ =	shalt  }
0x6b: {  	_ =	shalt  }
0x6c: {  	_ =	shalt  }
0x6d: {  	_ =	shalt  }
0x6e: {  	_ =	shalt  }
0x6f: {  	_ =	shalt  }
0x70: {  	_ =	shalt  }
0x71: {  	_ =	shalt  }
0x72: {  	_ =	shalt  }
0x73: {  	_ =	shalt  }
0x74: {  	_ =	shalt  }
0x75: {  	_ =	shalt  }
0x76: {  	_ =	shalt  }
0x77: {  	_ =	shalt  }
0x78: {  	_ =	shalt  }
0x79: {  	_ =	shalt  }
0x7a: {  	_ =	shalt  }
0x7b: {  	_ =	shalt  }
0x7c: {  	_ =	shalt  }
0x7d: {  	_ =	shalt  }
0x7e: {  	_ =	shalt  }
0x7f: {  	_ =	shalt  }
0x80: {  	_ =	shalt  }
0x81: {  	_ =	shalt  }
0x82: {  	_ =	shalt  }
0x83: {  	_ =	shalt  }
0x84: {  	_ =	shalt  }
0x85: {  	_ =	shalt  }
0x86: {  	_ =	shalt  }
0x87: {  	_ =	shalt  }
.Lfunc_end0:
.L_simem_size_0:
called_computation.1_lowered:
.L_overlay_start_0:
0x88: {  	s2 =	sld [smem:$0x3FD9]  }
0x89: {  	s3 =	sld [smem:$0x3FFE];
	_ =	sdelay $0x1  }
0x8a: {  	s1 =	srdreg.scid  }
0x8b: {  	s0 =	sand.u32 $0x1, s1  }
0x8c: {  	s17 =	sshll.u32 s0, $0xA;
	s2 =	sadd.s32 s3, s2  }
0x8d: {  	s2 =	sadd.s32 s2, s17  }
0x8e: {  	[smem:$0x3FC0] =	sst s2  }
0x8f: {  	_ = 	snop  }
0x90: {  	s2 =	sld [smem:$0x3FD0];
	(tm) =	ssettm $0x1  }
0x91: {  	s18 =	sld [smem:$0x3FFB];
	_ =	sdelay $0x3  }
0x92: {  	_ =	strace s18  }
0x93: {  	s3 =	sld [smem:$0x3FFC];
	_ =	sdelay $0x3  }
0x94: {  	_ =	strace s3  }
0x95: {  	s3 =	sld [smem:$0x3FFD];
	_ =	sdelay $0x3  }
0x96: {  	_ =	strace s3  }
0x97: {  	_ =	strace $0x8FFFFFFF  }
0x98: {  	s19 =	sld [smem:$0x3FDB];
	_ =	sdelay $0x1  }
0x99: {  	s4 =	simm.s32 $_scs_section_size  }
0x9a: {  	s5 =	simm.s32 $_size__tile_overlayer_lowered;
	s6 =	simm.s32 $_tile_overlayer_lowered  }
0x9b: {  	s22 =	simm.s32 $0x1BFF;
	s21 =	sshll.u32 s6, $0x1;
	s3 =	sadd.s32 s4, s19  }
0x9c: {  	s7 =	simm.s32 $0x0;
	s20 =	sshll.u32 s5, $0x1;
	s5 =	sadd.s32 s21, s3  }
0x9d: {  	[timem:s7], [sflag:s22] =	dma.local [hbm:s5], s20  }
0x9e: {  	_ =	swait.ge [sflag:s22], s20  }
0x9f: {  	s4 =	ssub.s32 $0x0, s20;
	[sflag:s22] =	ssyncset.done $0x0  }
0xa0: {  	[sflag:s22] =	ssyncadd.s32 s4;
	_ =	sdelay $0x1  }
0xa1: {  	s23 =	simm.s32 $0x1B8B  }
0xa2: {  	_ =	swait.ge [sflag:s23], $0x1  }
0xa3: {  	[sflag:s23] =	ssyncset.done $0x0  }
0xa4: {  	s25 =	simm.s32 $0x1B8E;
	s24 =	sld [smem:$0x3FFE];
	[sflag:s23] =	ssyncadd.s32 $0xFFFFFFFF  }
0xa5: {  	s26 =	simm.s32 $execute0_lowered;
	[smem:$0x3FD2] =	sst s25  }
0xa6: {  	s5 =	sshll.u32 s26, $0x1;
	_ =	strace $0x80000049;
	[dreg:$0x1] =	wrdreg $0xFFFFFFFF  }
0xa7: {  	s28 =	simm.s32 $_size_execute0_lowered;
	s3 =	sadd.s32 s3, s5;
	[dreg:$0x0] =	wrdreg $0x0  }
0xa8: {  	s5 =	sshll.u32 s28, $0x1;
	[dreg:$0x2] =	wrdreg s3  }
0xa9: {  	[dreg:$0x3] =	wrdreg s5  }
0xaa: {  	[dreg:$0x4] =	wrdreg $0xC0  }
0xab: {  	_ =	task [dreg:s7], $0x5FFFF  }
0xac: {  	[dreg:$0x1] =	wrdreg $0xFFFFFFFF  }
0xad: {  	[dreg:$0x0] =	wrdreg $0x60  }
0xae: {  	[dreg:$0x2] =	wrdreg s24  }
0xaf: {  	[dreg:$0x3] =	wrdreg s2  }
0xb0: {  	[dreg:$0x4] =	wrdreg $0x90000  }
0xb1: {  	[dreg:$0x5] =	wrdreg $0x9  }
0xb2: {  	_ =	task.clear_ibuf [dreg:s7], $0x6FFFF;
	_ =	strace $0x90000049  }
0xb3: {  	s29 =	simm.s32 $0x9;
	_ =	strace $0x8000004B  }
0xb4: {  	_ =	swait.ge [sflag:s29], $0x1  }
0xb5: {  	[sflag:s29] =	ssyncadd.s32 $0xFFFFFFFF  }
0xb6: {  	_ =	strace $0x9000004B  }
0xb7: {  	_ =	sfence  }
0xb8: {  	s30 =	sld [smem:$0x0];
	_ =	sdelay $0x2  }
0xb9: {  	s31 =	sshll.u32 s1, $0xD;
	s1 =	sshrl.u32 s1, $0x2  }
0xba: {  	s3 =	sand.u32 $0x4000, s31;
	s1 =	sadd.s32 s1, s30  }
0xbb: {  	s0 =	sor.u32 s3, s0;
	s1 =	sshll.u32 s1, $0x11  }
0xbc: {  	s0 =	sor.u32 s1, s0  }
0xbd: {  	s0 =	sadd.s32 $0x8F2B, s0  }
0xbe: {  	[sflag:s0] =	ssyncadd.remote.s32 $0x1  }
0xbf: {  	_ =	sfence.sel $0xFFFF  }
0xc0: {  	[dreg:$0x0] =	wrdreg $0xFFFFFFFF;
	(pc) =	sbr.abs _section_cstart, $3  }
0xc1: {  	[dreg:$0x1] =	wrdreg $0xFFFFFFFF  }
0xc2: {  	_ =	task.clear_ibuf [dreg:s7], $0x2FFFF;
	_ =	strace $0x9FFFFFFF  }
0xc3: {  	(tm) =	ssettm $0x7FFFFFFF  }
tec
execute0_lowered:
.L_overlay_start_1:
0x0: {  	(tag) =	ssettag $0x1  }
0x1: {  	s0 =	rddreg [dreg:$0x0]  }
0x2: {  	s1 =	rddreg [dreg:$0x1]  }
0x3: {  	s3 =	rddreg [dreg:$0x2];
	s4 =	simm.s32 $0x0  }
0x4: {  	s12 =	stileid.u32;
	s2 =	srdreg.scid;
	s15 =	simm.s32 $0x800  }
0x5: {  	s17 =	simm.s32 $0x4;
	s18 =	simm.s32 $0x3;
	s19 =	simm.s32 $0x80  }
0x6: {  	s20 =	simm.s32 $0x1000;
	s23 =	simm.s32 $0x5000;
	s28 =	simm.s32 $0x0  }
0x7: {  	[smem:$0x7FF] =	sst s4;
	s7 =	smul.u32 $0x50, s12;
	s5 =	sadd.s32 $0xC600, s0  }
0x8: {  	s6 =	sadd.s32 $0x2600, s0;
	s2 =	sand.u32 $0x1, s2;
	s8 =	sadd.s32 $0x34600, s0  }
0x9: {  	s9 =	sadd.s32 $0x5EE00, s0;
	s10 =	smul.u32 $0x50000, s12;
	s0 =	sadd.s32 $0x86E00, s0  }
0xa: {  	s30 =	sshll.u32 s12, $0x6;
	s31 =	smul.u32 $0x2800, s12;
	_ =	strace $0x8000004A  }
0xb: {  	[dreg:$0x5] =	wrdreg s8;
	p0 =	seq.s32 s2, $0x0;
	s2 =	ssub.s32 $0x2, s2  }
0xc: {  	s8 =	sadd.s32 $0x500, s7;
	s24 =	sshrl.u32 s2, $0x1;
	s29 =	sshrl.u32 s10, $0x2  }
0xd: {  	s10 =	sor.u32 $0x1C04, s30;
	s0 =	smov.u32 @p0 s9;
	s8 =	smov.u32 @p0 s7  }
0xe: {  	s2 =	ssub.s32 s2, s24;
	s11 =	sshll.u32 s8, $0x4;
	s8 =	sshrl.u32 s8, $0x3  }
0xf: {  	s7 =	sadd.s32 s29, s3;
	s2 =	smax.u32 s2, $0x1;
	[dreg:$0x4] =	wrdreg s8  }
0x10: {  	s14 =	sadd.s32 s0, s31;
	s25 =	sadd.s32 s6, s11;
	[dreg:$0x8] =	wrdreg s2  }
0x11: {  	s24 =	simm.s32 $0x1;
	s26 =	sadd.s32 s1, s11;
	[dreg:$0x6] =	wrdreg s25  }
0x12: {  	s16 =	sshrl.u32 s7, $0x3;
	s13 =	sor.u32 $0x80, s11;
	[dreg:$0x7] =	wrdreg s26  }
0x13: {  	s12 =	sadd.s32 s6, s13;
	s13 =	sadd.s32 s1, s13;
	s25 =	simm.s32 $0x2  }
.LBB2_1:
0x14: {  	s0 =	rddreg [dreg:$0x6]  }
0x15: {  	s9 =	rddreg [dreg:$0x7]  }
0x16: {  	[tilespmem:s4], [sflag:$0x3] =	stream.linear.gather [hbm4b:s0+s4], $0x400, $0x38;
	[tilespmem:$0x1D000] =	vst v63  }
0x17: {  	s11 =	rddreg [dreg:$0x5]  }
0x18: {  	[tilespmem:s15], [sflag:$0x3] =	stream.linear.gather [hbm4b:s9+s4], $0x400, $0x38;
	[tilespmem:$0x1D000] =	vst v63  }
0x19: {  	[spmem:s16], [sflag:s10] =	dma.local [hbm:s11], $0x2800  }
0x1a: {  	_ =	swait.ge [sflag:s17], $0x2800  }
0x1b: {  	[sflag:s17] =	ssyncset.done $0x0  }
0x1c: {  	[sflag:s17] =	ssyncadd.s32 $0xFFFFD800  }
0x1d: {  	[bflag:$0x0] =	sbarrier.arrive $0xFFFF  }
0x1e: {  	_ =	swait.ge [sflag:s18], $0x400  }
0x1f: {  	[sflag:s18] =	ssyncset.done $0x0  }
0x20: {  	[sflag:s18] =	ssyncadd.s32 $0xFFFFFC00  }
0x21: {  	_ =	swait.ge [sflag:s18], $0x400  }
0x22: {  	[sflag:s18] =	ssyncset.done $0x0  }
0x23: {  	[sflag:s18] =	ssyncadd.s32 $0xFFFFFC00  }
0x24: {  	[tilespmem:s20], [sflag:$0x1] =	stream.indirect.gather [hbm4b:s5+s19], $0x80, s4, s19, $0xb8;
	[tilespmem:$0x1D000] =	vst v63  }
0x25: {  	s21 =	simm.s32 $0x400  }
0x26: {  	[tilespmem:s21], [sflag:$0x3] =	stream.linear.gather [hbm4b:s12+s4], $0x400, $0x38;
	[tilespmem:$0x1D000] =	vst v63  }
0x27: {  	s22 =	simm.s32 $0xC00;
	p0 =	por $0x1, $0x1;
	s7 =	simm.s32 $0x20000  }
0x28: {  	[tilespmem:s22], [sflag:$0x3] =	stream.linear.gather [hbm4b:s13+s4], $0x400, $0x38;
	[tilespmem:$0x1D000] =	vst v63  }
0x29: {  	s8 =	simm.s32 $0x200;
	s29 =	simm.s32 $0x30000;
	s0 =	sand.u32 $0x7, s25  }
0x2a: {  	[tilespmem:s23], [sflag:$0x1] =	stream.indirect.gather [hbm4b:s5+s19], $0x80, s19, s19, $0xb8;
	[tilespmem:$0x1D000] =	vst v63  }
0x2b: {  	s31 =	simm.s32 $0x40000;
	p1 =	sne.s32 @!p0 s0, $0x0;
	_ =	swait.ge [sflag:s24], $0x4000  }
0x2c: {  	s30 =	simm.s32 $0x400;
	p2 =	por p1, p0;
	[sflag:s24] =	ssyncset.done $0x0  }
0x2d: {  	p4 =	por $0x1, $0x1;
	s2 =	simm.s32 @!p2 $0x3;
	[sflag:s24] =	ssyncadd.s32 $0xFFFFC000  }
0x2e: {  	[spmem:s3] =	stream.indirect.scatter.add.f32 [tilespmem:s20], [sflag:$0x2], $0x80, s15, s19, $0xb8;
	[tilespmem:$0x1D000] =	vst v63  }
0x2f: {  	s7 =	sand.u32 $0x10000, s7;
	p0 =	por $0x0, $0x0;
	_ =	swait.ge @!p2 [sflag:s2], $0x400  }
0x30: {  	s9 =	simm.s32 $0x0;
	p1 =	sne.s32 @!p0 s0, $0x0;
	[sflag:s2] =	ssyncset.done @!p2 $0x0  }
0x31: {  	s26 =	sand.u32 $0x400, s9;
	s0 =	sshll.u32 s0, $0x7;
	[sflag:s2] =	ssyncadd.s32 @!p2 $0xFFFFFC00  }
0x32: {  	s9 =	sshrl.u32 s7, $0x2;
	s11 =	simm.s32 $0x10000;
	_ =	swait.ge @!p2 [sflag:s2], $0x400  }
0x33: {  	s0 =	sor.u32 s0, s26;
	p1 =	por p1, p0;
	[sflag:s2] =	ssyncset.done @!p2 $0x0  }
0x34: {  	s26 =	sand.u32 $0x1E00, s8;
	p0 =	por $0x0, $0x0;
	[sflag:s2] =	ssyncadd.s32 @!p2 $0xFFFFFC00  }
0x35: {  	s7 =	sshrl.u32 s26, $0x2;
	s21 =	simm.s32 @!p1 $0x400;
	_ =	swait.ge [sflag:s25], $0x4000  }
0x36: {  	s7 =	sor.u32 $0x800, s7;
	s26 =	sand.u32 @!p1 $0x400, s21;
	[sflag:s25] =	ssyncset.done $0x0  }
0x37: {  	s2 =	sor.u32 $0x1000, s9;
	s9 =	sand.u32 $0x10000, s11;
	[sflag:s25] =	ssyncadd.s32 $0xFFFFC000  }
0x38: {  	[tilespmem:s2], [sflag:$0x1] =	stream.indirect.gather [hbm4b:s5+s19], $0x80, s0, s19, $0xb8;
	[tilespmem:$0x1D000] =	vst v63  }
0x39: {  	s22 =	sor.u32 @!p1 $0x800, s26;
	s9 =	sshrl.u32 s9, $0x2;
	_ =	swait.ge [sflag:s24], $0x4000  }
0x3a: {  	s9 =	sor.u32 $0x1000, s9;
	s0 =	simm.s32 $0x3;
	s8 =	rddreg [dreg:$0x4]  }
0x3b: {  	s2 =	simm.s32 @!p1 $0x0;
	s21 =	sand.u32 $0x7, s0;
	s8 =	sadd.s32 @!p1 $0x1, s8  }
0x3c: {  	[sflag:s24] =	ssyncset.done $0x0;
	p2 =	sne.s32 @!p0 s21, $0x0;
	s8 =	sshll.u32 @!p1 s8, $0x7  }
0x3d: {  	p5 =	sne.s32 @!p4 s21, $0x0;
	[sflag:s24] =	ssyncadd.s32 $0xFFFFC000;
	s8 =	sand.u32 @!p1 $0x1FFFFF80, s8  }
.LBB2_2:
0x3e: {  	[spmem:s3] =	stream.indirect.scatter.add.f32 [tilespmem:s9], [sflag:$0x2], $0x80, s7, s19, $0xb8;
	[tilespmem:$0x1D000] =	vst v63  }
0x3f: {  	p4 =	por p5, p4;
	s11 =	sadd.s32 @!p1 s6, s8  }
0x40: {  	[tilespmem:s26], [sflag:$0x3] =	stream.linear.gather @!p1 [hbm4b:s11+s2], $0x400, $0x38;
	[tilespmem:$0x1D000] =	vst v63  }
0x41: {  	s8 =	sadd.s32 @!p1 s1, s8;
	s11 =	simm.s32 @!p4 $0x3  }
0x42: {  	[tilespmem:s22], [sflag:$0x3] =	stream.linear.gather @!p1 [hbm4b:s8+s2], $0x400, $0x38;
	[tilespmem:$0x1D000] =	vst v63  }
0x43: {  	s7 =	smov.u32 s29;
	_ =	swait.ge @!p4 [sflag:s11], $0x400  }
0x44: {  	s29 =	smov.u32 s31;
	s9 =	smov.u32 s30;
	[sflag:s11] =	ssyncset.done @!p4 $0x0  }
0x45: {  	s31 =	sadd.s32 $0x10000, s31;
	s30 =	sadd.s32 $0x200, s30;
	[sflag:s11] =	ssyncadd.s32 @!p4 $0xFFFFFC00  }
0x46: {  	p3 =	sne.s32 s31, $0x500000;
	s2 =	sshrl.u32 s0, $0x3;
	_ =	swait.ge @!p4 [sflag:s11], $0x400  }
0x47: {  	s22 =	sshll.u32 s21, $0x7;
	s0 =	sadd.s32 $0x1, s0;
	[sflag:s11] =	ssyncset.done @!p4 $0x0  }
0x48: {  	p1 =	por p2, p0;
	s26 =	sshll.u32 s2, $0xA;
	[sflag:s11] =	ssyncadd.s32 @!p4 $0xFFFFFC00  }
0x49: {  	s8 =	sand.u32 $0x400, s26;
	s26 =	sand.u32 $0x10000, s7;
	_ =	swait.ge [sflag:s25], $0x4000  }
0x4a: {  	s8 =	sor.u32 s22, s8;
	s22 =	sshrl.u32 s26, $0x2;
	[sflag:s25] =	ssyncset.done $0x0  }
0x4b: {  	p0 =	sgt.u32 s0, $0x47;
	s11 =	sor.u32 $0x1000, s22;
	[sflag:s25] =	ssyncadd.s32 $0xFFFFC000  }
0x4c: {  	[tilespmem:s11], [sflag:$0x1] =	stream.indirect.gather [hbm4b:s5+s19], $0x80, s8, s19, $0xb8;
	[tilespmem:$0x1D000] =	vst v63  }
0x4d: {  	s26 =	sand.u32 $0x1E00, s9;
	p4 =	slt.u32 s0, $0x8;
	s8 =	sadd.s32 @!p1 $0x1, s2  }
0x4e: {  	s2 =	simm.s32 @!p1 $0x0;
	s11 =	sadd.s32 $0xFFFF0000, s7;
	s7 =	sshrl.u32 s26, $0x2  }
0x4f: {  	_ =	swait.ge [sflag:s24], $0x4000;
	s21 =	sshll.u32 @!p1 s8, $0xA;
	s7 =	sor.u32 $0x800, s7  }
.Ltmp0:
0x50: {  	s11 =	sand.u32 $0x10000, s11;
	s9 =	rddreg [dreg:$0x4];
	(pc) =	sbr.rel @p3 .LBB2_2-.Ltmp0, $4  }
0x51: {  	[sflag:s24] =	ssyncset.done $0x0;
	s26 =	sand.u32 @!p1 $0x400, s21;
	s21 =	sand.u32 $0x7, s0  }
0x52: {  	[sflag:s24] =	ssyncadd.s32 $0xFFFFC000;
	s8 =	sadd.s32 @!p1 s9, s8;
	s22 =	sor.u32 @!p1 $0x800, s26  }
0x53: {  	p2 =	sne.s32 @!p0 s21, $0x0;
	s9 =	sshrl.u32 s11, $0x2;
	s8 =	sshll.u32 @!p1 s8, $0x7  }
0x54: {  	p5 =	sne.s32 @!p4 s21, $0x0;
	s9 =	sor.u32 $0x1000, s9;
	s8 =	sand.u32 @!p1 $0x1FFFFF80, s8  }
0x55: {  	[spmem:s3] =	stream.indirect.scatter.add.f32 [tilespmem:s9], [sflag:$0x2], $0x80, s7, s19, $0xb8;
	[tilespmem:$0x1D000] =	vst v63  }
0x56: {  	p3 =	por p5, p4;
	s7 =	sadd.s32 @!p1 s6, s8  }
0x57: {  	[tilespmem:s26], [sflag:$0x3] =	stream.linear.gather @!p1 [hbm4b:s7+s2], $0x400, $0x38;
	[tilespmem:$0x1D000] =	vst v63  }
0x58: {  	s8 =	sadd.s32 @!p1 s1, s8;
	s7 =	simm.s32 @!p3 $0x3  }
0x59: {  	[tilespmem:s22], [sflag:$0x3] =	stream.linear.gather @!p1 [hbm4b:s8+s2], $0x400, $0x38;
	[tilespmem:$0x1D000] =	vst v63  }
0x5a: {  	_ =	swait.ge @!p3 [sflag:s7], $0x400  }
0x5b: {  	[sflag:s7] =	ssyncset.done @!p3 $0x0  }
0x5c: {  	[sflag:s7] =	ssyncadd.s32 @!p3 $0xFFFFFC00  }
0x5d: {  	_ =	swait.ge @!p3 [sflag:s7], $0x400  }
0x5e: {  	s0 =	sshrl.u32 s0, $0x3;
	s11 =	sand.u32 $0x10000, s29;
	[sflag:s7] =	ssyncset.done @!p3 $0x0  }
0x5f: {  	s21 =	sshll.u32 s21, $0x7;
	p0 =	por p2, p0;
	[sflag:s7] =	ssyncadd.s32 @!p3 $0xFFFFFC00  }
0x60: {  	s9 =	sshll.u32 s0, $0xA;
	s0 =	sadd.s32 @!p0 $0x1, s0;
	_ =	swait.ge [sflag:s25], $0x4000  }
0x61: {  	s2 =	sand.u32 $0x400, s9;
	s7 =	sshrl.u32 s11, $0x2;
	[sflag:s25] =	ssyncset.done $0x0  }
0x62: {  	s2 =	sor.u32 s21, s2;
	s7 =	sor.u32 $0x1000, s7;
	[sflag:s25] =	ssyncadd.s32 $0xFFFFC000  }
0x63: {  	[tilespmem:s7], [sflag:$0x1] =	stream.indirect.gather [hbm4b:s5+s19], $0x80, s2, s19, $0xb8;
	[tilespmem:$0x1D000] =	vst v63  }
0x64: {  	s26 =	sadd.s32 $0xFFFF0000, s29;
	s22 =	sand.u32 $0x1E00, s30;
	_ =	swait.ge [sflag:s24], $0x4000  }
0x65: {  	s29 =	sand.u32 $0x10000, s26;
	s7 =	sshrl.u32 s22, $0x2;
	s2 =	rddreg [dreg:$0x4]  }
0x66: {  	s9 =	sshll.u32 @!p0 s0, $0xA;
	s7 =	sor.u32 $0x800, s7;
	s0 =	sadd.s32 @!p0 s2, s0  }
0x67: {  	[sflag:s24] =	ssyncset.done $0x0;
	s2 =	sshrl.u32 s29, $0x2;
	s0 =	sshll.u32 @!p0 s0, $0x7  }
0x68: {  	[sflag:s24] =	ssyncadd.s32 $0xFFFFC000;
	s2 =	sor.u32 $0x1000, s2;
	s0 =	sand.u32 @!p0 $0x1FFFFF80, s0  }
0x69: {  	[spmem:s3] =	stream.indirect.scatter.add.f32 [tilespmem:s2], [sflag:$0x2], $0x80, s7, s19, $0xb8;
	[tilespmem:$0x1D000] =	vst v63  }
0x6a: {  	s2 =	simm.s32 @!p0 $0x0;
	s7 =	sand.u32 @!p0 $0x400, s9;
	s8 =	sadd.s32 @!p0 s6, s0  }
0x6b: {  	[tilespmem:s7], [sflag:$0x3] =	stream.linear.gather @!p0 [hbm4b:s8+s2], $0x400, $0x38;
	[tilespmem:$0x1D000] =	vst v63  }
0x6c: {  	s0 =	sadd.s32 @!p0 s1, s0;
	s7 =	sor.u32 @!p0 $0x800, s7  }
0x6d: {  	[tilespmem:s7], [sflag:$0x3] =	stream.linear.gather @!p0 [hbm4b:s0+s2], $0x400, $0x38;
	[tilespmem:$0x1D000] =	vst v63  }
0x6e: {  	_ =	swait.ge [sflag:s24], $0x4000  }
0x6f: {  	[sflag:s24] =	ssyncset.done $0x0  }
0x70: {  	s30 =	simm.s32 $0xF80;
	[sflag:s24] =	ssyncadd.s32 $0xFFFFC000  }
0x71: {  	[spmem:s3] =	stream.indirect.scatter.add.f32 [tilespmem:s23], [sflag:$0x2], $0x80, s30, s19, $0xb8;
	[tilespmem:$0x1D000] =	vst v63  }
0x72: {  	_ =	swait.ge [sflag:s25], $0x4000  }
0x73: {  	[sflag:s25] =	ssyncset.done $0x0  }
0x74: {  	[sflag:s25] =	ssyncadd.s32 $0xFFFFC000  }
0x75: {  	_ =	swait.ge [sflag:s25], $0x4000  }
0x76: {  	[sflag:s25] =	ssyncset.done $0x0  }
0x77: {  	[sflag:s25] =	ssyncadd.s32 $0xFFFFC000  }
0x78: {  	[bflag:$0x0] =	sbarrier.arrive $0xFFFF  }
0x79: {  	[hbm:s14], [sflag:s10] =	dma.local [spmem:s16], $0x2800  }
0x7a: {  	_ =	swait.ge [sflag:s17], $0x2800  }
0x7b: {  	s28 =	sadd.s32 $0x1, s28;
	s31 =	rddreg [dreg:$0x8]  }
0x7c: {  	p0 =	sne.s32 s28, s31  }
.Ltmp1:
0x7d: {  	_ = 	snop;
	(pc) =	sbr.rel @p0 .LBB2_1-.Ltmp1, $3  }
0x7e: {  	_ =	sdelay $0x1  }
0x7f: {  	[sflag:s17] =	ssyncset.done $0x0  }
0x80: {  	[sflag:s17] =	ssyncadd.s32 $0xFFFFD800  }
0x81: {  	_ =	sfence.sel $0x180000  }
0x82: {  	[bflag:$0x0] =	sbarrier.arrive $0xFFFF  }
0x83: {  	_ =	strace $0x9000004A  }
0x84: {  	s0 =	stileid.u32;
	[bflag:$0x2] =	sbarrier.arrive $0xFFFF  }
0x85: {  	p0 =	sne.s32 s0, $0x0;
	s0 =	rddreg [dreg:$0x3]  }
0x86: {  	s0 =	sadd.s32 @!p0 $0x100000, s0  }
0x87: {  	[sflag:s0] =	ssyncadd.tile.s32 @!p0 $0x1;
	_ =	shalt  }
.Lfunc_end2:
_tile_overlayer_lowered:
.L_overlay_start_2:
0x88: {  	(tag) =	ssettag $0x2  }
0x89: {  	s0 =	rddreg [dreg:$0x0];
	s2 =	stileid.u32  }
0x8a: {  	s1 =	rddreg [dreg:$0x1];
	p0 =	sne.s32 s2, $0x0  }
0x8b: {  	s3 =	rddreg [dreg:$0x2];
	[bflag:$0x3] =	sbarrier.arrive $0xFFFF;
	s2 =	simm.s32 @!p0 $0x1C04  }
0x8c: {  	[timem:s3], [sflag:s2] =	dma.local @!p0 [hbm:s0], s1  }
0x8d: {  	s0 =	simm.s32 @!p0 $0x4  }
0x8e: {  	_ =	swait.ge @!p0 [sflag:s0], s1  }
0x8f: {  	s1 =	ssub.s32 @!p0 $0x0, s1;
	[sflag:s0] =	ssyncset.done @!p0 $0x0  }
0x90: {  	[sflag:s0] =	ssyncadd.s32 @!p0 s1  }
0x91: {  	[bflag:$0x3] =	sbarrier.arrive $0xFFFF  }
0x92: {  	_ =	shalt  }

</sc_bundles>
